<compile_context>
chip_gen: v7x
topology: tpu7x:2x2x1
jax: 0.10.2.dev20260603
libtpu: 0.0.44.dev20260713+nightly
codegen_flags: <defaults>
</compile_context>

<pallas_src>
import numpy as np
import jax
import jax.numpy as jnp
from jax import lax
from jax.experimental import pallas as pl
from jax.experimental.pallas import tpu as pltpu
from jax.experimental.pallas import tpu_sc as plsc

_BATCH = 4
_PATCH = 512
_IMG = 1024
_NTILES = 32
_G = 520
_CANW = 384
_CROWS = 16
_CAN = _CROWS * _CANW
_CANPAD = _CAN + _CANW
_NCHUNK = _G * 16 // 128


def _build_schedule():
    rows = np.arange(256, 768)
    cols = np.arange(256, 768)
    RR, CC = np.meshgrid(rows, cols, indexing="ij")
    r = (512 - CC).astype(np.float64)
    ang = RR * (np.pi / 1024)
    ii = np.round(r * np.cos(ang) + 512).astype(np.int64) - 1
    jj = np.round(r * np.sin(ang) + 512).astype(np.int64) - 1
    ii = np.maximum(np.where(ii > 1024, 1024, ii), 0)
    jj = np.maximum(np.where(jj > 1024, 1024, jj), 0)
    ii = ii.ravel()
    jj = jj.ravel()
    drow = jj - 256
    tile = drow % _NTILES
    lrow = drow // _NTILES
    d = lrow * _CANW + (ii - 320)
    s = np.arange(_PATCH * _PATCH)
    src = np.zeros((_NTILES, _G * 16), np.int32)
    dst = np.tile(
        (_CAN + np.arange(16, dtype=np.int32))[None, :], (_NTILES, _G, 1)
    ).reshape(_NTILES, _G * 16)
    for w in range(_NTILES):
        m = tile == w
        dd = d[m]
        ss = s[m]
        o = np.argsort(dd, kind="stable")
        dd = dd[o]
        ss = ss[o]
        n = dd.size
        g = np.arange(n) % _G
        lane = np.arange(n) // _G
        src[w, g * 16 + lane] = ss
        dst[w, g * 16 + lane] = dd
    return src, dst


_SRC_TAB, _DST_TAB = _build_schedule()


def _sc_kernel(sr0, sr1, sr2, sr3, hr0, hr1, hr2, hr3, src_tab, dst_tab):
    mesh = plsc.VectorSubcoreMesh(core_axis_name="c", subcore_axis_name="s")

    def body(sr0_h, sr1_h, sr2_h, sr3_h, hr0_h, hr1_h, hr2_h, hr3_h,
             src_h, dst_h, out_h, src_v, dst_v,
             v0, v1, v2, v3, v4, v5, v6, v7, can0, can1, acc_v,
             s0, s1, s2, s3, s4, s5, s6, s7):
        wid = lax.axis_index("s") * 2 + lax.axis_index("c")
        pltpu.sync_copy(src_h.at[wid], src_v)
        pltpu.sync_copy(dst_h.at[wid], dst_v)

        flats = (sr0_h, hr0_h, sr1_h, hr1_h, sr2_h, hr2_h, sr3_h, hr3_h)
        bufs = (v0, v1, v2, v3, v4, v5, v6, v7)
        sems = (s0, s1, s2, s3, s4, s5, s6, s7)
        descs = [
            pltpu.async_copy(f.at[src_v], b, s)
            for f, b, s in zip(flats, bufs, sems)
        ]

        zeros16 = jnp.zeros((16,), jnp.float32)

        def zero_chunk(i, _):
            can0[pl.ds(i * 16, 16)] = zeros16
            can1[pl.ds(i * 16, 16)] = zeros16
            return 0

        lax.fori_loop(0, _CAN // 16, zero_chunk, 0)

        def rmw_one(can, vals_v):
            def body_g(g, _):
                dsts = dst_v[pl.ds(g * 16, 16)]
                vals = vals_v[pl.ds(g * 16, 16)]
                cur = plsc.load_gather(can, [dsts])
                plsc.store_scatter(can, [dsts], jnp.maximum(cur, vals))
                return 0

            lax.fori_loop(0, _G, body_g, 0, unroll=2)

        def rmw_fused(vsr, vhr):
            def body_g(g, _):
                dsts = dst_v[pl.ds(g * 16, 16)]
                a = vsr[pl.ds(g * 16, 16)]
                b = vhr[pl.ds(g * 16, 16)]
                c0 = plsc.load_gather(can0, [dsts])
                plsc.store_scatter(can0, [dsts], jnp.maximum(c0, a))
                c1 = plsc.load_gather(can1, [dsts])
                plsc.store_scatter(can1, [dsts], jnp.maximum(c1, b))
                return 0

            lax.fori_loop(0, _G, body_g, 0, unroll=2)

        acc = jnp.zeros((16,), jnp.float32)
        for b in range(_BATCH):
            if b == 0:
                descs[0].wait()
                rmw_one(can0, bufs[0])
                descs[1].wait()
                rmw_one(can1, bufs[1])
            else:
                descs[2 * b].wait()
                descs[2 * b + 1].wait()
                rmw_fused(bufs[2 * b], bufs[2 * b + 1])

            if b < _BATCH - 1:
                def diff_zero(i, a):
                    x = jnp.abs(
                        can0[pl.ds(i * 16, 16)] - can1[pl.ds(i * 16, 16)]
                    )
                    can0[pl.ds(i * 16, 16)] = zeros16
                    can1[pl.ds(i * 16, 16)] = zeros16
                    return a + x

                acc = lax.fori_loop(0, _CAN // 16, diff_zero, acc, unroll=2)
            else:
                def diff_only(i, a):
                    return a + jnp.abs(
                        can0[pl.ds(i * 16, 16)] - can1[pl.ds(i * 16, 16)]
                    )

                acc = lax.fori_loop(0, _CAN // 16, diff_only, acc, unroll=2)

        acc_v[...] = acc
        pltpu.sync_copy(acc_v, out_h.at[wid])

    run = pl.kernel(
        body,
        out_type=jax.ShapeDtypeStruct((_NTILES, 16), jnp.float32),
        mesh=mesh,
        scratch_types=[
            pltpu.VMEM((_G * 16,), jnp.int32),
            pltpu.VMEM((_G * 16,), jnp.int32),
        ] + [pltpu.VMEM((_G * 16,), jnp.float32) for _ in range(8)] + [
            pltpu.VMEM((_CANPAD,), jnp.float32),
            pltpu.VMEM((_CANPAD,), jnp.float32),
            pltpu.VMEM((16,), jnp.float32),
        ] + [pltpu.SemaphoreType.DMA for _ in range(8)],
        compiler_params=pltpu.CompilerParams(
            needs_layout_passes=False, disable_bounds_checks=True
        ),
    )
    return run(sr0, sr1, sr2, sr3, hr0, hr1, hr2, hr3, src_tab, dst_tab)


def kernel(sr_patch, hr, patch_cord):
    srf = sr_patch.reshape(_BATCH, _PATCH * _PATCH)
    hrf = hr.reshape(_BATCH, _PATCH * _PATCH)
    partials = _sc_kernel(
        srf[0], srf[1], srf[2], srf[3],
        hrf[0], hrf[1], hrf[2], hrf[3],
        _SRC_TAB, _DST_TAB,
    )
    return jnp.sum(partials) / jnp.float32(_BATCH * _IMG * _IMG)

# --- scband reference (transcript-rebuilt; emitter-appended) ---
"""Pipeline reference for scband-rec-13099650253518 (READ-ONLY COPY).

The authoritative reference and input builder live on the scoring server;
editing this copy changes nothing except your own understanding.
"""

import jax, jax.numpy as jnp
import numpy as np

BATCH = 4
PATCH = 512
IMG = 1024


def _build_patch_cord(batch):
    r0 = np.full((batch,), 256, dtype=np.int64)
    c0 = np.full((batch,), 256, dtype=np.int64)
    return jnp.asarray(np.stack([r0, c0, r0 + PATCH, c0 + PATCH], axis=0))


def setup_inputs(seed: int = 0):
    key = jax.random.key(seed)
    k1, k2 = jax.random.split(key)
    sr_patch = jax.random.uniform(k1, (BATCH, 1, PATCH, PATCH), dtype=jnp.float32)
    hr = jax.random.uniform(k2, (BATCH, 1, PATCH, PATCH), dtype=jnp.float32)
    return {"sr_patch": sr_patch, "hr": hr, "patch_cord": _build_patch_cord(BATCH)}


def _pad_img(patch, pc):
    batch, channel, h, w = patch.shape
    img = jnp.zeros((batch, channel, IMG, IMG), dtype=patch.dtype)
    for b in range(batch):
        r0, c0 = pc[0, b], pc[1, b]
        img = jax.lax.dynamic_update_slice(img, patch[b : b + 1], (b, 0, r0, c0))
    return img


def _rec_img(img, pc):
    batch = img.shape[0]
    bScanSum = img.shape[2]
    bScanNum = img.shape[3]
    amp = 1
    bScanSumOrigin = 1024
    bScanNumOrigin = 1024
    dR = bScanNumOrigin / bScanNum
    dAngle = np.pi / bScanSum
    dRR = dR / amp
    dAR = dAngle / amp
    offset = bScanNum / 2 * amp
    R0 = (IMG - PATCH) // 2
    rows = np.arange(R0, R0 + PATCH)
    cols = np.arange(R0, R0 + PATCH)
    RR, CC = np.meshgrid(rows, cols, indexing="ij")
    r = (offset - CC) * dRR
    ang = RR * dAR
    x = r * np.cos(ang)
    y = r * np.sin(ang)
    ii = np.round(x + bScanNumOrigin / 2).astype(np.int64) - 1
    jj = np.round(y + bScanNumOrigin / 2).astype(np.int64) - 1
    ii = np.where(ii > bScanNumOrigin, bScanNumOrigin, ii)
    jj = np.where(jj > bScanSumOrigin, bScanSumOrigin, jj)
    ii = np.maximum(ii, 0)
    jj = np.maximum(jj, 0)
    rr_off, cc_off = np.meshgrid(np.arange(PATCH), np.arange(PATCH), indexing="ij")
    jj_flat = jnp.asarray(jj.ravel())
    ii_flat = jnp.asarray(ii.ravel())
    rec = jnp.zeros_like(img)
    for b in range(batch):
        r0, c0 = pc[0, b], pc[1, b]
        src_r = r0 + jnp.asarray(rr_off.ravel())
        src_c = c0 + jnp.asarray(cc_off.ravel())
        vals = img[b, :, src_r, src_c]
        rec = rec.at[b, :, jj_flat, ii_flat].max(vals)
    return rec


def reference(sr_patch, hr, patch_cord):
    sr_pad = _pad_img(sr_patch, patch_cord)
    sr_rec = _rec_img(sr_pad, patch_cord)
    hr_pad = _pad_img(hr, patch_cord)
    hr_rec = _rec_img(hr_pad, patch_cord)
    return jnp.mean(jnp.abs(sr_rec - hr_rec))

if __name__ == "__main__":
    import jax
    _d = setup_inputs()
    print(jax.jit(kernel)(*tuple(_d.values())))

</pallas_src>

<mosaic_0001>
#map = affine_map<(d0, d1) -> (0)>
#map1 = affine_map<(d0, d1) -> (0, 0)>
module attributes {stable_mosaic.version = 14 : i64} {
  func.func @body(%arg0: i32, %arg1: i32, %arg2: memref<262144xf32, #tpu.memory_space<hbm>>, %arg3: memref<262144xf32, #tpu.memory_space<hbm>>, %arg4: memref<262144xf32, #tpu.memory_space<hbm>>, %arg5: memref<262144xf32, #tpu.memory_space<hbm>>, %arg6: memref<262144xf32, #tpu.memory_space<hbm>>, %arg7: memref<262144xf32, #tpu.memory_space<hbm>>, %arg8: memref<262144xf32, #tpu.memory_space<hbm>>, %arg9: memref<262144xf32, #tpu.memory_space<hbm>>, %arg10: memref<32x8320xi32, #tpu.memory_space<hbm>>, %arg11: memref<32x8320xi32, #tpu.memory_space<hbm>>, %arg12: memref<32x16xf32, #tpu.memory_space<hbm>>, %arg13: memref<8320xi32, #tpu.memory_space<vmem>>, %arg14: memref<8320xi32, #tpu.memory_space<vmem>>, %arg15: memref<8320xf32, #tpu.memory_space<vmem>>, %arg16: memref<8320xf32, #tpu.memory_space<vmem>>, %arg17: memref<8320xf32, #tpu.memory_space<vmem>>, %arg18: memref<8320xf32, #tpu.memory_space<vmem>>, %arg19: memref<8320xf32, #tpu.memory_space<vmem>>, %arg20: memref<8320xf32, #tpu.memory_space<vmem>>, %arg21: memref<8320xf32, #tpu.memory_space<vmem>>, %arg22: memref<8320xf32, #tpu.memory_space<vmem>>, %arg23: memref<6528xf32, #tpu.memory_space<vmem>>, %arg24: memref<6528xf32, #tpu.memory_space<vmem>>, %arg25: memref<16xf32, #tpu.memory_space<vmem>>, %arg26: memref<!tpu.dma_semaphore, #tpu.memory_space<semaphore_mem>>, %arg27: memref<!tpu.dma_semaphore, #tpu.memory_space<semaphore_mem>>, %arg28: memref<!tpu.dma_semaphore, #tpu.memory_space<semaphore_mem>>, %arg29: memref<!tpu.dma_semaphore, #tpu.memory_space<semaphore_mem>>, %arg30: memref<!tpu.dma_semaphore, #tpu.memory_space<semaphore_mem>>, %arg31: memref<!tpu.dma_semaphore, #tpu.memory_space<semaphore_mem>>, %arg32: memref<!tpu.dma_semaphore, #tpu.memory_space<semaphore_mem>>, %arg33: memref<!tpu.dma_semaphore, #tpu.memory_space<semaphore_mem>>) attributes {dimension_semantics = [#tpu.dimension_semantics<core_parallel>, #tpu.dimension_semantics<subcore_parallel>], iteration_bounds = array<i64: 2, 16>, scalar_prefetch = 0 : i64, scratch_operands = 21 : i64, tpu.core_type = #tpu.core_type<sc_vector_subcore>, window_params = [{transform_indices = #map}, {transform_indices = #map}, {transform_indices = #map}, {transform_indices = #map}, {transform_indices = #map}, {transform_indices = #map}, {transform_indices = #map}, {transform_indices = #map}, {transform_indices = #map1}, {transform_indices = #map1}, {transform_indices = #map1}]} {
    %mul3A = arith.constant 2 : i32
    %mul3A_0 = arith.muli %arg1, %mul3A : i32
    %add3A = arith.addi %mul3A_0, %arg0 : i32
    "tpu.region"() ({
      %run_scoped3A = tpu.sem_alloc : memref<!tpu.dma_semaphore, #tpu.memory_space<semaphore_mem>>
      %dma_start3A_100 = arith.constant 0 : i32
      %dma_start3A_101 = tpu.memref_slice %arg10[%add3A, %dma_start3A_100] : memref<32x8320xi32, #tpu.memory_space<hbm>> -> memref<1x8320xi32, #tpu.memory_space<hbm>>
      %dma_start3A_102 = tpu.memref_squeeze %dma_start3A_101 : memref<1x8320xi32, #tpu.memory_space<hbm>> -> memref<8320xi32, #tpu.memory_space<hbm>>
      %dma_start3A_103 = arith.constant 0 : i32
      %dma_start3A_104 = tpu.memref_slice %arg10[%add3A, %dma_start3A_103] : memref<32x8320xi32, #tpu.memory_space<hbm>> -> memref<1x8320xi32, #tpu.memory_space<hbm>>
      %dma_start3A_105 = tpu.memref_squeeze %dma_start3A_104 : memref<1x8320xi32, #tpu.memory_space<hbm>> -> memref<8320xi32, #tpu.memory_space<hbm>>
      tpu.enqueue_dma source(%dma_start3A_105 : memref<8320xi32, #tpu.memory_space<hbm>>) target(%arg13 : memref<8320xi32, #tpu.memory_space<vmem>>) target_semaphore(%run_scoped3A : memref<!tpu.dma_semaphore, #tpu.memory_space<semaphore_mem>>)
      %dma_wait3A_106 = arith.constant 0 : i32
      %dma_wait3A_107 = tpu.memref_slice %arg10[%add3A, %dma_wait3A_106] : memref<32x8320xi32, #tpu.memory_space<hbm>> -> memref<1x8320xi32, #tpu.memory_space<hbm>>
      %dma_wait3A_108 = tpu.memref_squeeze %dma_wait3A_107 : memref<1x8320xi32, #tpu.memory_space<hbm>> -> memref<8320xi32, #tpu.memory_space<hbm>>
      %dma_wait3A_109 = arith.constant 0 : i32
      %dma_wait3A_110 = tpu.memref_slice %arg10[%add3A, %dma_wait3A_109] : memref<32x8320xi32, #tpu.memory_space<hbm>> -> memref<1x8320xi32, #tpu.memory_space<hbm>>
      %dma_wait3A_111 = tpu.memref_squeeze %dma_wait3A_110 : memref<1x8320xi32, #tpu.memory_space<hbm>> -> memref<8320xi32, #tpu.memory_space<hbm>>
      tpu.wait_dma2 semaphore(%run_scoped3A : memref<!tpu.dma_semaphore, #tpu.memory_space<semaphore_mem>>) src(%dma_wait3A_111 : memref<8320xi32, #tpu.memory_space<hbm>>) dst(%arg13 : memref<8320xi32, #tpu.memory_space<vmem>>)
      tpu.yield
    }) : () -> ()
    "tpu.region"() ({
      %run_scoped3A = tpu.sem_alloc : memref<!tpu.dma_semaphore, #tpu.memory_space<semaphore_mem>>
      %dma_start3A_100 = arith.constant 0 : i32
      %dma_start3A_101 = tpu.memref_slice %arg11[%add3A, %dma_start3A_100] : memref<32x8320xi32, #tpu.memory_space<hbm>> -> memref<1x8320xi32, #tpu.memory_space<hbm>>
      %dma_start3A_102 = tpu.memref_squeeze %dma_start3A_101 : memref<1x8320xi32, #tpu.memory_space<hbm>> -> memref<8320xi32, #tpu.memory_space<hbm>>
      %dma_start3A_103 = arith.constant 0 : i32
      %dma_start3A_104 = tpu.memref_slice %arg11[%add3A, %dma_start3A_103] : memref<32x8320xi32, #tpu.memory_space<hbm>> -> memref<1x8320xi32, #tpu.memory_space<hbm>>
      %dma_start3A_105 = tpu.memref_squeeze %dma_start3A_104 : memref<1x8320xi32, #tpu.memory_space<hbm>> -> memref<8320xi32, #tpu.memory_space<hbm>>
      tpu.enqueue_dma source(%dma_start3A_105 : memref<8320xi32, #tpu.memory_space<hbm>>) target(%arg14 : memref<8320xi32, #tpu.memory_space<vmem>>) target_semaphore(%run_scoped3A : memref<!tpu.dma_semaphore, #tpu.memory_space<semaphore_mem>>)
      %dma_wait3A_106 = arith.constant 0 : i32
      %dma_wait3A_107 = tpu.memref_slice %arg11[%add3A, %dma_wait3A_106] : memref<32x8320xi32, #tpu.memory_space<hbm>> -> memref<1x8320xi32, #tpu.memory_space<hbm>>
      %dma_wait3A_108 = tpu.memref_squeeze %dma_wait3A_107 : memref<1x8320xi32, #tpu.memory_space<hbm>> -> memref<8320xi32, #tpu.memory_space<hbm>>
      %dma_wait3A_109 = arith.constant 0 : i32
      %dma_wait3A_110 = tpu.memref_slice %arg11[%add3A, %dma_wait3A_109] : memref<32x8320xi32, #tpu.memory_space<hbm>> -> memref<1x8320xi32, #tpu.memory_space<hbm>>
      %dma_wait3A_111 = tpu.memref_squeeze %dma_wait3A_110 : memref<1x8320xi32, #tpu.memory_space<hbm>> -> memref<8320xi32, #tpu.memory_space<hbm>>
      tpu.wait_dma2 semaphore(%run_scoped3A : memref<!tpu.dma_semaphore, #tpu.memory_space<semaphore_mem>>) src(%dma_wait3A_111 : memref<8320xi32, #tpu.memory_space<hbm>>) dst(%arg14 : memref<8320xi32, #tpu.memory_space<vmem>>)
      tpu.yield
    }) : () -> ()
    %dma_start3A = arith.constant 0 : i32
    %dma_start3A_1 = tpu.memref_slice %arg2[%dma_start3A] : memref<262144xf32, #tpu.memory_space<hbm>> -> memref<262144xf32, #tpu.memory_space<hbm>>
    tpu.enqueue_indirect_dma source(%dma_start3A_1 : memref<262144xf32, #tpu.memory_space<hbm>>) target(%arg15 : memref<8320xf32, #tpu.memory_space<vmem>>) offsets(%arg13 : memref<8320xi32, #tpu.memory_space<vmem>>) semaphore(%arg26 : memref<!tpu.dma_semaphore, #tpu.memory_space<semaphore_mem>>)
    %dma_start3A_2 = arith.constant 0 : i32
    %dma_start3A_3 = tpu.memref_slice %arg6[%dma_start3A_2] : memref<262144xf32, #tpu.memory_space<hbm>> -> memref<262144xf32, #tpu.memory_space<hbm>>
    tpu.enqueue_indirect_dma source(%dma_start3A_3 : memref<262144xf32, #tpu.memory_space<hbm>>) target(%arg16 : memref<8320xf32, #tpu.memory_space<vmem>>) offsets(%arg13 : memref<8320xi32, #tpu.memory_space<vmem>>) semaphore(%arg27 : memref<!tpu.dma_semaphore, #tpu.memory_space<semaphore_mem>>)
    %dma_start3A_4 = arith.constant 0 : i32
    %dma_start3A_5 = tpu.memref_slice %arg3[%dma_start3A_4] : memref<262144xf32, #tpu.memory_space<hbm>> -> memref<262144xf32, #tpu.memory_space<hbm>>
    tpu.enqueue_indirect_dma source(%dma_start3A_5 : memref<262144xf32, #tpu.memory_space<hbm>>) target(%arg17 : memref<8320xf32, #tpu.memory_space<vmem>>) offsets(%arg13 : memref<8320xi32, #tpu.memory_space<vmem>>) semaphore(%arg28 : memref<!tpu.dma_semaphore, #tpu.memory_space<semaphore_mem>>)
    %dma_start3A_6 = arith.constant 0 : i32
    %dma_start3A_7 = tpu.memref_slice %arg7[%dma_start3A_6] : memref<262144xf32, #tpu.memory_space<hbm>> -> memref<262144xf32, #tpu.memory_space<hbm>>
    tpu.enqueue_indirect_dma source(%dma_start3A_7 : memref<262144xf32, #tpu.memory_space<hbm>>) target(%arg18 : memref<8320xf32, #tpu.memory_space<vmem>>) offsets(%arg13 : memref<8320xi32, #tpu.memory_space<vmem>>) semaphore(%arg29 : memref<!tpu.dma_semaphore, #tpu.memory_space<semaphore_mem>>)
    %dma_start3A_8 = arith.constant 0 : i32
    %dma_start3A_9 = tpu.memref_slice %arg4[%dma_start3A_8] : memref<262144xf32, #tpu.memory_space<hbm>> -> memref<262144xf32, #tpu.memory_space<hbm>>
    tpu.enqueue_indirect_dma source(%dma_start3A_9 : memref<262144xf32, #tpu.memory_space<hbm>>) target(%arg19 : memref<8320xf32, #tpu.memory_space<vmem>>) offsets(%arg13 : memref<8320xi32, #tpu.memory_space<vmem>>) semaphore(%arg30 : memref<!tpu.dma_semaphore, #tpu.memory_space<semaphore_mem>>)
    %dma_start3A_10 = arith.constant 0 : i32
    %dma_start3A_11 = tpu.memref_slice %arg8[%dma_start3A_10] : memref<262144xf32, #tpu.memory_space<hbm>> -> memref<262144xf32, #tpu.memory_space<hbm>>
    tpu.enqueue_indirect_dma source(%dma_start3A_11 : memref<262144xf32, #tpu.memory_space<hbm>>) target(%arg20 : memref<8320xf32, #tpu.memory_space<vmem>>) offsets(%arg13 : memref<8320xi32, #tpu.memory_space<vmem>>) semaphore(%arg31 : memref<!tpu.dma_semaphore, #tpu.memory_space<semaphore_mem>>)
    %dma_start3A_12 = arith.constant 0 : i32
    %dma_start3A_13 = tpu.memref_slice %arg5[%dma_start3A_12] : memref<262144xf32, #tpu.memory_space<hbm>> -> memref<262144xf32, #tpu.memory_space<hbm>>
    tpu.enqueue_indirect_dma source(%dma_start3A_13 : memref<262144xf32, #tpu.memory_space<hbm>>) target(%arg21 : memref<8320xf32, #tpu.memory_space<vmem>>) offsets(%arg13 : memref<8320xi32, #tpu.memory_space<vmem>>) semaphore(%arg32 : memref<!tpu.dma_semaphore, #tpu.memory_space<semaphore_mem>>)
    %dma_start3A_14 = arith.constant 0 : i32
    %dma_start3A_15 = tpu.memref_slice %arg9[%dma_start3A_14] : memref<262144xf32, #tpu.memory_space<hbm>> -> memref<262144xf32, #tpu.memory_space<hbm>>
    tpu.enqueue_indirect_dma source(%dma_start3A_15 : memref<262144xf32, #tpu.memory_space<hbm>>) target(%arg22 : memref<8320xf32, #tpu.memory_space<vmem>>) offsets(%arg13 : memref<8320xi32, #tpu.memory_space<vmem>>) semaphore(%arg33 : memref<!tpu.dma_semaphore, #tpu.memory_space<semaphore_mem>>)
    %broadcast_in_dim3A = arith.constant 0.000000e+00 : f32
    %broadcast_in_dim3A_16 = vector.broadcast %broadcast_in_dim3A : f32 to vector<16xf32>
    %scan3A = arith.constant 0 : i32
    %scan3A_17 = arith.constant 0 : i32
    %scan3A_18 = arith.constant 384 : i32
    %scan3A_19 = arith.addi %scan3A_17, %scan3A_18 : i32
    %scan3A_20 = arith.constant 1 : i32
    %scan3A_21 = scf.for %scan3A_100 = %scan3A_17 to %scan3A_19 step %scan3A_20 iter_args(%scan3A_101 = %scan3A) -> (i32)  : i32 {
      %mul3A_102 = arith.constant 16 : i32
      %mul3A_103 = arith.muli %scan3A_100, %mul3A_102 : i32
      %swap3A_104 = arith.index_cast %mul3A_103 : i32 to index
      %swap3A_105 = tpu.vector_load %arg23[%swap3A_104] {strides = array<i32>} : memref<6528xf32, #tpu.memory_space<vmem>>, vector<16xf32>,
      tpu.vector_store %arg23[%swap3A_104], %broadcast_in_dim3A_16 {strides = array<i32>} : memref<6528xf32, #tpu.memory_space<vmem>>, vector<16xf32>,
      %mul3A_106 = arith.constant 16 : i32
      %mul3A_107 = arith.muli %scan3A_100, %mul3A_106 : i32
      %swap3A_108 = arith.index_cast %mul3A_107 : i32 to index
      %swap3A_109 = tpu.vector_load %arg24[%swap3A_108] {strides = array<i32>} : memref<6528xf32, #tpu.memory_space<vmem>>, vector<16xf32>,
      tpu.vector_store %arg24[%swap3A_108], %broadcast_in_dim3A_16 {strides = array<i32>} : memref<6528xf32, #tpu.memory_space<vmem>>, vector<16xf32>,
      %scan3A_110 = arith.constant 0 : i32
      scf.yield %scan3A_110 : i32
    }
    %scan3A_22 = arith.constant 384 : i32
    %broadcast_in_dim3A_23 = arith.constant 0.000000e+00 : f32
    %broadcast_in_dim3A_24 = vector.broadcast %broadcast_in_dim3A_23 : f32 to vector<16xf32>
    %dma_wait3A = arith.constant 0 : i32
    %dma_wait3A_25 = tpu.memref_slice %arg2[%dma_wait3A] : memref<262144xf32, #tpu.memory_space<hbm>> -> memref<262144xf32, #tpu.memory_space<hbm>>
    tpu.wait_indirect_dma semaphore(%arg26 : memref<!tpu.dma_semaphore, #tpu.memory_space<semaphore_mem>>) src(%dma_wait3A_25 : memref<262144xf32, #tpu.memory_space<hbm>>) dst(%arg15 : memref<8320xf32, #tpu.memory_space<vmem>>)
    %scan3A_26 = arith.constant 0 : i32
    %scan3A_27 = arith.constant 0 : i32
    %scan3A_28 = arith.constant 520 : i32
    %scan3A_29 = arith.addi %scan3A_27, %scan3A_28 : i32
    %scan3A_30 = arith.constant 2 : i32
    %scan3A_31 = scf.for %scan3A_100 = %scan3A_27 to %scan3A_29 step %scan3A_30 iter_args(%scan3A_101 = %scan3A_26) -> (i32)  : i32 {
      %mul3A_102 = arith.constant 16 : i32
      %mul3A_103 = arith.muli %scan3A_100, %mul3A_102 : i32
      %get3A = arith.index_cast %mul3A_103 : i32 to index
      %get3A_104 = tpu.vector_load %arg14[%get3A] {strides = array<i32>} : memref<8320xi32, #tpu.memory_space<vmem>>, vector<16xi32>,
      %mul3A_105 = arith.constant 16 : i32
      %mul3A_106 = arith.muli %scan3A_100, %mul3A_105 : i32
      %get3A_107 = arith.index_cast %mul3A_106 : i32 to index
      %get3A_108 = tpu.vector_load %arg15[%get3A_107] {strides = array<i32>} : memref<8320xf32, #tpu.memory_space<vmem>>, vector<16xf32>,
      %gather3A = tpu.vector_load_idx %arg23[%get3A_104] : memref<6528xf32, #tpu.memory_space<vmem>>[vector<16xi32>], vector<16xf32>,
      %max3A = arith.maximumf %gather3A, %get3A_108 : vector<16xf32>
      tpu.vector_store_idx %arg23[%get3A_104], %max3A : memref<6528xf32, #tpu.memory_space<vmem>>[vector<16xi32>], vector<16xf32>,
      %scan3A_109 = arith.constant 0 : i32
      %scan3A_110 = arith.constant 1 : i32
      %scan3A_111 = arith.addi %scan3A_100, %scan3A_110 : i32
      %mul3A_112 = arith.constant 16 : i32
      %mul3A_113 = arith.muli %scan3A_111, %mul3A_112 : i32
      %get3A_114 = arith.index_cast %mul3A_113 : i32 to index
      %get3A_115 = tpu.vector_load %arg14[%get3A_114] {strides = array<i32>} : memref<8320xi32, #tpu.memory_space<vmem>>, vector<16xi32>,
      %mul3A_116 = arith.constant 16 : i32
      %mul3A_117 = arith.muli %scan3A_111, %mul3A_116 : i32
      %get3A_118 = arith.index_cast %mul3A_117 : i32 to index
      %get3A_119 = tpu.vector_load %arg15[%get3A_118] {strides = array<i32>} : memref<8320xf32, #tpu.memory_space<vmem>>, vector<16xf32>,
      %gather3A_120 = tpu.vector_load_idx %arg23[%get3A_115] : memref<6528xf32, #tpu.memory_space<vmem>>[vector<16xi32>], vector<16xf32>,
      %max3A_121 = arith.maximumf %gather3A_120, %get3A_119 : vector<16xf32>
      tpu.vector_store_idx %arg23[%get3A_115], %max3A_121 : memref<6528xf32, #tpu.memory_space<vmem>>[vector<16xi32>], vector<16xf32>,
      %scan3A_122 = arith.constant 0 : i32
      scf.yield %scan3A_122 : i32
    }
    %scan3A_32 = arith.constant 520 : i32
    %dma_wait3A_33 = arith.constant 0 : i32
    %dma_wait3A_34 = tpu.memref_slice %arg6[%dma_wait3A_33] : memref<262144xf32, #tpu.memory_space<hbm>> -> memref<262144xf32, #tpu.memory_space<hbm>>
    tpu.wait_indirect_dma semaphore(%arg27 : memref<!tpu.dma_semaphore, #tpu.memory_space<semaphore_mem>>) src(%dma_wait3A_34 : memref<262144xf32, #tpu.memory_space<hbm>>) dst(%arg16 : memref<8320xf32, #tpu.memory_space<vmem>>)
    %scan3A_35 = arith.constant 0 : i32
    %scan3A_36 = arith.constant 0 : i32
    %scan3A_37 = arith.constant 520 : i32
    %scan3A_38 = arith.addi %scan3A_36, %scan3A_37 : i32
    %scan3A_39 = arith.constant 2 : i32
    %scan3A_40 = scf.for %scan3A_100 = %scan3A_36 to %scan3A_38 step %scan3A_39 iter_args(%scan3A_101 = %scan3A_35) -> (i32)  : i32 {
      %mul3A_102 = arith.constant 16 : i32
      %mul3A_103 = arith.muli %scan3A_100, %mul3A_102 : i32
      %get3A = arith.index_cast %mul3A_103 : i32 to index
      %get3A_104 = tpu.vector_load %arg14[%get3A] {strides = array<i32>} : memref<8320xi32, #tpu.memory_space<vmem>>, vector<16xi32>,
      %mul3A_105 = arith.constant 16 : i32
      %mul3A_106 = arith.muli %scan3A_100, %mul3A_105 : i32
      %get3A_107 = arith.index_cast %mul3A_106 : i32 to index
      %get3A_108 = tpu.vector_load %arg16[%get3A_107] {strides = array<i32>} : memref<8320xf32, #tpu.memory_space<vmem>>, vector<16xf32>,
      %gather3A = tpu.vector_load_idx %arg24[%get3A_104] : memref<6528xf32, #tpu.memory_space<vmem>>[vector<16xi32>], vector<16xf32>,
      %max3A = arith.maximumf %gather3A, %get3A_108 : vector<16xf32>
      tpu.vector_store_idx %arg24[%get3A_104], %max3A : memref<6528xf32, #tpu.memory_space<vmem>>[vector<16xi32>], vector<16xf32>,
      %scan3A_109 = arith.constant 0 : i32
      %scan3A_110 = arith.constant 1 : i32
      %scan3A_111 = arith.addi %scan3A_100, %scan3A_110 : i32
      %mul3A_112 = arith.constant 16 : i32
      %mul3A_113 = arith.muli %scan3A_111, %mul3A_112 : i32
      %get3A_114 = arith.index_cast %mul3A_113 : i32 to index
      %get3A_115 = tpu.vector_load %arg14[%get3A_114] {strides = array<i32>} : memref<8320xi32, #tpu.memory_space<vmem>>, vector<16xi32>,
      %mul3A_116 = arith.constant 16 : i32
      %mul3A_117 = arith.muli %scan3A_111, %mul3A_116 : i32
      %get3A_118 = arith.index_cast %mul3A_117 : i32 to index
      %get3A_119 = tpu.vector_load %arg16[%get3A_118] {strides = array<i32>} : memref<8320xf32, #tpu.memory_space<vmem>>, vector<16xf32>,
      %gather3A_120 = tpu.vector_load_idx %arg24[%get3A_115] : memref<6528xf32, #tpu.memory_space<vmem>>[vector<16xi32>], vector<16xf32>,
      %max3A_121 = arith.maximumf %gather3A_120, %get3A_119 : vector<16xf32>
      tpu.vector_store_idx %arg24[%get3A_115], %max3A_121 : memref<6528xf32, #tpu.memory_space<vmem>>[vector<16xi32>], vector<16xf32>,
      %scan3A_122 = arith.constant 0 : i32
      scf.yield %scan3A_122 : i32
    }
    %scan3A_41 = arith.constant 520 : i32
    %scan3A_42 = arith.constant 0 : i32
    %scan3A_43 = arith.constant 384 : i32
    %scan3A_44 = arith.addi %scan3A_42, %scan3A_43 : i32
    %scan3A_45 = arith.constant 2 : i32
    %scan3A_46 = scf.for %scan3A_100 = %scan3A_42 to %scan3A_44 step %scan3A_45 iter_args(%scan3A_101 = %broadcast_in_dim3A_24) -> (vector<16xf32>)  : i32 {
      %mul3A_102 = arith.constant 16 : i32
      %mul3A_103 = arith.muli %scan3A_100, %mul3A_102 : i32
      %get3A = arith.index_cast %mul3A_103 : i32 to index
      %get3A_104 = tpu.vector_load %arg23[%get3A] {strides = array<i32>} : memref<6528xf32, #tpu.memory_space<vmem>>, vector<16xf32>,
      %mul3A_105 = arith.constant 16 : i32
      %mul3A_106 = arith.muli %scan3A_100, %mul3A_105 : i32
      %get3A_107 = arith.index_cast %mul3A_106 : i32 to index
      %get3A_108 = tpu.vector_load %arg24[%get3A_107] {strides = array<i32>} : memref<6528xf32, #tpu.memory_space<vmem>>, vector<16xf32>,
      %sub3A = arith.subf %get3A_104, %get3A_108 : vector<16xf32>
      %abs3A = math.absf %sub3A : vector<16xf32>
      %mul3A_109 = arith.constant 16 : i32
      %mul3A_110 = arith.muli %scan3A_100, %mul3A_109 : i32
      %swap3A_111 = arith.index_cast %mul3A_110 : i32 to index
      %swap3A_112 = tpu.vector_load %arg23[%swap3A_111] {strides = array<i32>} : memref<6528xf32, #tpu.memory_space<vmem>>, vector<16xf32>,
      tpu.vector_store %arg23[%swap3A_111], %broadcast_in_dim3A_16 {strides = array<i32>} : memref<6528xf32, #tpu.memory_space<vmem>>, vector<16xf32>,
      %mul3A_113 = arith.constant 16 : i32
      %mul3A_114 = arith.muli %scan3A_100, %mul3A_113 : i32
      %swap3A_115 = arith.index_cast %mul3A_114 : i32 to index
      %swap3A_116 = tpu.vector_load %arg24[%swap3A_115] {strides = array<i32>} : memref<6528xf32, #tpu.memory_space<vmem>>, vector<16xf32>,
      tpu.vector_store %arg24[%swap3A_115], %broadcast_in_dim3A_16 {strides = array<i32>} : memref<6528xf32, #tpu.memory_space<vmem>>, vector<16xf32>,
      %add3A_117 = arith.addf %scan3A_101, %abs3A : vector<16xf32>
      %scan3A_118 = arith.constant 1 : i32
      %scan3A_119 = arith.addi %scan3A_100, %scan3A_118 : i32
      %mul3A_120 = arith.constant 16 : i32
      %mul3A_121 = arith.muli %scan3A_119, %mul3A_120 : i32
      %get3A_122 = arith.index_cast %mul3A_121 : i32 to index
      %get3A_123 = tpu.vector_load %arg23[%get3A_122] {strides = array<i32>} : memref<6528xf32, #tpu.memory_space<vmem>>, vector<16xf32>,
      %mul3A_124 = arith.constant 16 : i32
      %mul3A_125 = arith.muli %scan3A_119, %mul3A_124 : i32
      %get3A_126 = arith.index_cast %mul3A_125 : i32 to index
      %get3A_127 = tpu.vector_load %arg24[%get3A_126] {strides = array<i32>} : memref<6528xf32, #tpu.memory_space<vmem>>, vector<16xf32>,
      %sub3A_128 = arith.subf %get3A_123, %get3A_127 : vector<16xf32>
      %abs3A_129 = math.absf %sub3A_128 : vector<16xf32>
      %mul3A_130 = arith.constant 16 : i32
      %mul3A_131 = arith.muli %scan3A_119, %mul3A_130 : i32
      %swap3A_132 = arith.index_cast %mul3A_131 : i32 to index
      %swap3A_133 = tpu.vector_load %arg23[%swap3A_132] {strides = array<i32>} : memref<6528xf32, #tpu.memory_space<vmem>>, vector<16xf32>,
      tpu.vector_store %arg23[%swap3A_132], %broadcast_in_dim3A_16 {strides = array<i32>} : memref<6528xf32, #tpu.memory_space<vmem>>, vector<16xf32>,
      %mul3A_134 = arith.constant 16 : i32
      %mul3A_135 = arith.muli %scan3A_119, %mul3A_134 : i32
      %swap3A_136 = arith.index_cast %mul3A_135 : i32 to index
      %swap3A_137 = tpu.vector_load %arg24[%swap3A_136] {strides = array<i32>} : memref<6528xf32, #tpu.memory_space<vmem>>, vector<16xf32>,
      tpu.vector_store %arg24[%swap3A_136], %broadcast_in_dim3A_16 {strides = array<i32>} : memref<6528xf32, #tpu.memory_space<vmem>>, vector<16xf32>,
      %add3A_138 = arith.addf %add3A_117, %abs3A_129 : vector<16xf32>
      scf.yield %add3A_138 : vector<16xf32>
    }
    %scan3A_47 = arith.constant 384 : i32
    %dma_wait3A_48 = arith.constant 0 : i32
    %dma_wait3A_49 = tpu.memref_slice %arg3[%dma_wait3A_48] : memref<262144xf32, #tpu.memory_space<hbm>> -> memref<262144xf32, #tpu.memory_space<hbm>>
    tpu.wait_indirect_dma semaphore(%arg28 : memref<!tpu.dma_semaphore, #tpu.memory_space<semaphore_mem>>) src(%dma_wait3A_49 : memref<262144xf32, #tpu.memory_space<hbm>>) dst(%arg17 : memref<8320xf32, #tpu.memory_space<vmem>>)
    %dma_wait3A_50 = arith.constant 0 : i32
    %dma_wait3A_51 = tpu.memref_slice %arg7[%dma_wait3A_50] : memref<262144xf32, #tpu.memory_space<hbm>> -> memref<262144xf32, #tpu.memory_space<hbm>>
    tpu.wait_indirect_dma semaphore(%arg29 : memref<!tpu.dma_semaphore, #tpu.memory_space<semaphore_mem>>) src(%dma_wait3A_51 : memref<262144xf32, #tpu.memory_space<hbm>>) dst(%arg18 : memref<8320xf32, #tpu.memory_space<vmem>>)
    %scan3A_52 = arith.constant 0 : i32
    %scan3A_53 = arith.constant 0 : i32
    %scan3A_54 = arith.constant 520 : i32
    %scan3A_55 = arith.addi %scan3A_53, %scan3A_54 : i32
    %scan3A_56 = arith.constant 2 : i32
    %scan3A_57 = scf.for %scan3A_100 = %scan3A_53 to %scan3A_55 step %scan3A_56 iter_args(%scan3A_101 = %scan3A_52) -> (i32)  : i32 {
      %mul3A_102 = arith.constant 16 : i32
      %mul3A_103 = arith.muli %scan3A_100, %mul3A_102 : i32
      %get3A = arith.index_cast %mul3A_103 : i32 to index
      %get3A_104 = tpu.vector_load %arg14[%get3A] {strides = array<i32>} : memref<8320xi32, #tpu.memory_space<vmem>>, vector<16xi32>,
      %mul3A_105 = arith.constant 16 : i32
      %mul3A_106 = arith.muli %scan3A_100, %mul3A_105 : i32
      %get3A_107 = arith.index_cast %mul3A_106 : i32 to index
      %get3A_108 = tpu.vector_load %arg17[%get3A_107] {strides = array<i32>} : memref<8320xf32, #tpu.memory_space<vmem>>, vector<16xf32>,
      %mul3A_109 = arith.constant 16 : i32
      %mul3A_110 = arith.muli %scan3A_100, %mul3A_109 : i32
      %get3A_111 = arith.index_cast %mul3A_110 : i32 to index
      %get3A_112 = tpu.vector_load %arg18[%get3A_111] {strides = array<i32>} : memref<8320xf32, #tpu.memory_space<vmem>>, vector<16xf32>,
      %gather3A = tpu.vector_load_idx %arg23[%get3A_104] : memref<6528xf32, #tpu.memory_space<vmem>>[vector<16xi32>], vector<16xf32>,
      %max3A = arith.maximumf %gather3A, %get3A_108 : vector<16xf32>
      tpu.vector_store_idx %arg23[%get3A_104], %max3A : memref<6528xf32, #tpu.memory_space<vmem>>[vector<16xi32>], vector<16xf32>,
      %gather3A_113 = tpu.vector_load_idx %arg24[%get3A_104] : memref<6528xf32, #tpu.memory_space<vmem>>[vector<16xi32>], vector<16xf32>,
      %max3A_114 = arith.maximumf %gather3A_113, %get3A_112 : vector<16xf32>
      tpu.vector_store_idx %arg24[%get3A_104], %max3A_114 : memref<6528xf32, #tpu.memory_space<vmem>>[vector<16xi32>], vector<16xf32>,
      %scan3A_115 = arith.constant 0 : i32
      %scan3A_116 = arith.constant 1 : i32
      %scan3A_117 = arith.addi %scan3A_100, %scan3A_116 : i32
      %mul3A_118 = arith.constant 16 : i32
      %mul3A_119 = arith.muli %scan3A_117, %mul3A_118 : i32
      %get3A_120 = arith.index_cast %mul3A_119 : i32 to index
      %get3A_121 = tpu.vector_load %arg14[%get3A_120] {strides = array<i32>} : memref<8320xi32, #tpu.memory_space<vmem>>, vector<16xi32>,
      %mul3A_122 = arith.constant 16 : i32
      %mul3A_123 = arith.muli %scan3A_117, %mul3A_122 : i32
      %get3A_124 = arith.index_cast %mul3A_123 : i32 to index
      %get3A_125 = tpu.vector_load %arg17[%get3A_124] {strides = array<i32>} : memref<8320xf32, #tpu.memory_space<vmem>>, vector<16xf32>,
      %mul3A_126 = arith.constant 16 : i32
      %mul3A_127 = arith.muli %scan3A_117, %mul3A_126 : i32
      %get3A_128 = arith.index_cast %mul3A_127 : i32 to index
      %get3A_129 = tpu.vector_load %arg18[%get3A_128] {strides = array<i32>} : memref<8320xf32, #tpu.memory_space<vmem>>, vector<16xf32>,
      %gather3A_130 = tpu.vector_load_idx %arg23[%get3A_121] : memref<6528xf32, #tpu.memory_space<vmem>>[vector<16xi32>], vector<16xf32>,
      %max3A_131 = arith.maximumf %gather3A_130, %get3A_125 : vector<16xf32>
      tpu.vector_store_idx %arg23[%get3A_121], %max3A_131 : memref<6528xf32, #tpu.memory_space<vmem>>[vector<16xi32>], vector<16xf32>,
      %gather3A_132 = tpu.vector_load_idx %arg24[%get3A_121] : memref<6528xf32, #tpu.memory_space<vmem>>[vector<16xi32>], vector<16xf32>,
      %max3A_133 = arith.maximumf %gather3A_132, %get3A_129 : vector<16xf32>
      tpu.vector_store_idx %arg24[%get3A_121], %max3A_133 : memref<6528xf32, #tpu.memory_space<vmem>>[vector<16xi32>], vector<16xf32>,
      %scan3A_134 = arith.constant 0 : i32
      scf.yield %scan3A_134 : i32
    }
    %scan3A_58 = arith.constant 520 : i32
    %scan3A_59 = arith.constant 0 : i32
    %scan3A_60 = arith.constant 384 : i32
    %scan3A_61 = arith.addi %scan3A_59, %scan3A_60 : i32
    %scan3A_62 = arith.constant 2 : i32
    %scan3A_63 = scf.for %scan3A_100 = %scan3A_59 to %scan3A_61 step %scan3A_62 iter_args(%scan3A_101 = %scan3A_46) -> (vector<16xf32>)  : i32 {
      %mul3A_102 = arith.constant 16 : i32
      %mul3A_103 = arith.muli %scan3A_100, %mul3A_102 : i32
      %get3A = arith.index_cast %mul3A_103 : i32 to index
      %get3A_104 = tpu.vector_load %arg23[%get3A] {strides = array<i32>} : memref<6528xf32, #tpu.memory_space<vmem>>, vector<16xf32>,
      %mul3A_105 = arith.constant 16 : i32
      %mul3A_106 = arith.muli %scan3A_100, %mul3A_105 : i32
      %get3A_107 = arith.index_cast %mul3A_106 : i32 to index
      %get3A_108 = tpu.vector_load %arg24[%get3A_107] {strides = array<i32>} : memref<6528xf32, #tpu.memory_space<vmem>>, vector<16xf32>,
      %sub3A = arith.subf %get3A_104, %get3A_108 : vector<16xf32>
      %abs3A = math.absf %sub3A : vector<16xf32>
      %mul3A_109 = arith.constant 16 : i32
      %mul3A_110 = arith.muli %scan3A_100, %mul3A_109 : i32
      %swap3A_111 = arith.index_cast %mul3A_110 : i32 to index
      %swap3A_112 = tpu.vector_load %arg23[%swap3A_111] {strides = array<i32>} : memref<6528xf32, #tpu.memory_space<vmem>>, vector<16xf32>,
      tpu.vector_store %arg23[%swap3A_111], %broadcast_in_dim3A_16 {strides = array<i32>} : memref<6528xf32, #tpu.memory_space<vmem>>, vector<16xf32>,
      %mul3A_113 = arith.constant 16 : i32
      %mul3A_114 = arith.muli %scan3A_100, %mul3A_113 : i32
      %swap3A_115 = arith.index_cast %mul3A_114 : i32 to index
      %swap3A_116 = tpu.vector_load %arg24[%swap3A_115] {strides = array<i32>} : memref<6528xf32, #tpu.memory_space<vmem>>, vector<16xf32>,
      tpu.vector_store %arg24[%swap3A_115], %broadcast_in_dim3A_16 {strides = array<i32>} : memref<6528xf32, #tpu.memory_space<vmem>>, vector<16xf32>,
      %add3A_117 = arith.addf %scan3A_101, %abs3A : vector<16xf32>
      %scan3A_118 = arith.constant 1 : i32
      %scan3A_119 = arith.addi %scan3A_100, %scan3A_118 : i32
      %mul3A_120 = arith.constant 16 : i32
      %mul3A_121 = arith.muli %scan3A_119, %mul3A_120 : i32
      %get3A_122 = arith.index_cast %mul3A_121 : i32 to index
      %get3A_123 = tpu.vector_load %arg23[%get3A_122] {strides = array<i32>} : memref<6528xf32, #tpu.memory_space<vmem>>, vector<16xf32>,
      %mul3A_124 = arith.constant 16 : i32
      %mul3A_125 = arith.muli %scan3A_119, %mul3A_124 : i32
      %get3A_126 = arith.index_cast %mul3A_125 : i32 to index
      %get3A_127 = tpu.vector_load %arg24[%get3A_126] {strides = array<i32>} : memref<6528xf32, #tpu.memory_space<vmem>>, vector<16xf32>,
      %sub3A_128 = arith.subf %get3A_123, %get3A_127 : vector<16xf32>
      %abs3A_129 = math.absf %sub3A_128 : vector<16xf32>
      %mul3A_130 = arith.constant 16 : i32
      %mul3A_131 = arith.muli %scan3A_119, %mul3A_130 : i32
      %swap3A_132 = arith.index_cast %mul3A_131 : i32 to index
      %swap3A_133 = tpu.vector_load %arg23[%swap3A_132] {strides = array<i32>} : memref<6528xf32, #tpu.memory_space<vmem>>, vector<16xf32>,
      tpu.vector_store %arg23[%swap3A_132], %broadcast_in_dim3A_16 {strides = array<i32>} : memref<6528xf32, #tpu.memory_space<vmem>>, vector<16xf32>,
      %mul3A_134 = arith.constant 16 : i32
      %mul3A_135 = arith.muli %scan3A_119, %mul3A_134 : i32
      %swap3A_136 = arith.index_cast %mul3A_135 : i32 to index
      %swap3A_137 = tpu.vector_load %arg24[%swap3A_136] {strides = array<i32>} : memref<6528xf32, #tpu.memory_space<vmem>>, vector<16xf32>,
      tpu.vector_store %arg24[%swap3A_136], %broadcast_in_dim3A_16 {strides = array<i32>} : memref<6528xf32, #tpu.memory_space<vmem>>, vector<16xf32>,
      %add3A_138 = arith.addf %add3A_117, %abs3A_129 : vector<16xf32>
      scf.yield %add3A_138 : vector<16xf32>
    }
    %scan3A_64 = arith.constant 384 : i32
    %dma_wait3A_65 = arith.constant 0 : i32
    %dma_wait3A_66 = tpu.memref_slice %arg4[%dma_wait3A_65] : memref<262144xf32, #tpu.memory_space<hbm>> -> memref<262144xf32, #tpu.memory_space<hbm>>
    tpu.wait_indirect_dma semaphore(%arg30 : memref<!tpu.dma_semaphore, #tpu.memory_space<semaphore_mem>>) src(%dma_wait3A_66 : memref<262144xf32, #tpu.memory_space<hbm>>) dst(%arg19 : memref<8320xf32, #tpu.memory_space<vmem>>)
    %dma_wait3A_67 = arith.constant 0 : i32
    %dma_wait3A_68 = tpu.memref_slice %arg8[%dma_wait3A_67] : memref<262144xf32, #tpu.memory_space<hbm>> -> memref<262144xf32, #tpu.memory_space<hbm>>
    tpu.wait_indirect_dma semaphore(%arg31 : memref<!tpu.dma_semaphore, #tpu.memory_space<semaphore_mem>>) src(%dma_wait3A_68 : memref<262144xf32, #tpu.memory_space<hbm>>) dst(%arg20 : memref<8320xf32, #tpu.memory_space<vmem>>)
    %scan3A_69 = arith.constant 0 : i32
    %scan3A_70 = arith.constant 0 : i32
    %scan3A_71 = arith.constant 520 : i32
    %scan3A_72 = arith.addi %scan3A_70, %scan3A_71 : i32
    %scan3A_73 = arith.constant 2 : i32
    %scan3A_74 = scf.for %scan3A_100 = %scan3A_70 to %scan3A_72 step %scan3A_73 iter_args(%scan3A_101 = %scan3A_69) -> (i32)  : i32 {
      %mul3A_102 = arith.constant 16 : i32
      %mul3A_103 = arith.muli %scan3A_100, %mul3A_102 : i32
      %get3A = arith.index_cast %mul3A_103 : i32 to index
      %get3A_104 = tpu.vector_load %arg14[%get3A] {strides = array<i32>} : memref<8320xi32, #tpu.memory_space<vmem>>, vector<16xi32>,
      %mul3A_105 = arith.constant 16 : i32
      %mul3A_106 = arith.muli %scan3A_100, %mul3A_105 : i32
      %get3A_107 = arith.index_cast %mul3A_106 : i32 to index
      %get3A_108 = tpu.vector_load %arg19[%get3A_107] {strides = array<i32>} : memref<8320xf32, #tpu.memory_space<vmem>>, vector<16xf32>,
      %mul3A_109 = arith.constant 16 : i32
      %mul3A_110 = arith.muli %scan3A_100, %mul3A_109 : i32
      %get3A_111 = arith.index_cast %mul3A_110 : i32 to index
      %get3A_112 = tpu.vector_load %arg20[%get3A_111] {strides = array<i32>} : memref<8320xf32, #tpu.memory_space<vmem>>, vector<16xf32>,
      %gather3A = tpu.vector_load_idx %arg23[%get3A_104] : memref<6528xf32, #tpu.memory_space<vmem>>[vector<16xi32>], vector<16xf32>,
      %max3A = arith.maximumf %gather3A, %get3A_108 : vector<16xf32>
      tpu.vector_store_idx %arg23[%get3A_104], %max3A : memref<6528xf32, #tpu.memory_space<vmem>>[vector<16xi32>], vector<16xf32>,
      %gather3A_113 = tpu.vector_load_idx %arg24[%get3A_104] : memref<6528xf32, #tpu.memory_space<vmem>>[vector<16xi32>], vector<16xf32>,
      %max3A_114 = arith.maximumf %gather3A_113, %get3A_112 : vector<16xf32>
      tpu.vector_store_idx %arg24[%get3A_104], %max3A_114 : memref<6528xf32, #tpu.memory_space<vmem>>[vector<16xi32>], vector<16xf32>,
      %scan3A_115 = arith.constant 0 : i32
      %scan3A_116 = arith.constant 1 : i32
      %scan3A_117 = arith.addi %scan3A_100, %scan3A_116 : i32
      %mul3A_118 = arith.constant 16 : i32
      %mul3A_119 = arith.muli %scan3A_117, %mul3A_118 : i32
      %get3A_120 = arith.index_cast %mul3A_119 : i32 to index
      %get3A_121 = tpu.vector_load %arg14[%get3A_120] {strides = array<i32>} : memref<8320xi32, #tpu.memory_space<vmem>>, vector<16xi32>,
      %mul3A_122 = arith.constant 16 : i32
      %mul3A_123 = arith.muli %scan3A_117, %mul3A_122 : i32
      %get3A_124 = arith.index_cast %mul3A_123 : i32 to index
      %get3A_125 = tpu.vector_load %arg19[%get3A_124] {strides = array<i32>} : memref<8320xf32, #tpu.memory_space<vmem>>, vector<16xf32>,
      %mul3A_126 = arith.constant 16 : i32
      %mul3A_127 = arith.muli %scan3A_117, %mul3A_126 : i32
      %get3A_128 = arith.index_cast %mul3A_127 : i32 to index
      %get3A_129 = tpu.vector_load %arg20[%get3A_128] {strides = array<i32>} : memref<8320xf32, #tpu.memory_space<vmem>>, vector<16xf32>,
      %gather3A_130 = tpu.vector_load_idx %arg23[%get3A_121] : memref<6528xf32, #tpu.memory_space<vmem>>[vector<16xi32>], vector<16xf32>,
      %max3A_131 = arith.maximumf %gather3A_130, %get3A_125 : vector<16xf32>
      tpu.vector_store_idx %arg23[%get3A_121], %max3A_131 : memref<6528xf32, #tpu.memory_space<vmem>>[vector<16xi32>], vector<16xf32>,
      %gather3A_132 = tpu.vector_load_idx %arg24[%get3A_121] : memref<6528xf32, #tpu.memory_space<vmem>>[vector<16xi32>], vector<16xf32>,
      %max3A_133 = arith.maximumf %gather3A_132, %get3A_129 : vector<16xf32>
      tpu.vector_store_idx %arg24[%get3A_121], %max3A_133 : memref<6528xf32, #tpu.memory_space<vmem>>[vector<16xi32>], vector<16xf32>,
      %scan3A_134 = arith.constant 0 : i32
      scf.yield %scan3A_134 : i32
    }
    %scan3A_75 = arith.constant 520 : i32
    %scan3A_76 = arith.constant 0 : i32
    %scan3A_77 = arith.constant 384 : i32
    %scan3A_78 = arith.addi %scan3A_76, %scan3A_77 : i32
    %scan3A_79 = arith.constant 2 : i32
    %scan3A_80 = scf.for %scan3A_100 = %scan3A_76 to %scan3A_78 step %scan3A_79 iter_args(%scan3A_101 = %scan3A_63) -> (vector<16xf32>)  : i32 {
      %mul3A_102 = arith.constant 16 : i32
      %mul3A_103 = arith.muli %scan3A_100, %mul3A_102 : i32
      %get3A = arith.index_cast %mul3A_103 : i32 to index
      %get3A_104 = tpu.vector_load %arg23[%get3A] {strides = array<i32>} : memref<6528xf32, #tpu.memory_space<vmem>>, vector<16xf32>,
      %mul3A_105 = arith.constant 16 : i32
      %mul3A_106 = arith.muli %scan3A_100, %mul3A_105 : i32
      %get3A_107 = arith.index_cast %mul3A_106 : i32 to index
      %get3A_108 = tpu.vector_load %arg24[%get3A_107] {strides = array<i32>} : memref<6528xf32, #tpu.memory_space<vmem>>, vector<16xf32>,
      %sub3A = arith.subf %get3A_104, %get3A_108 : vector<16xf32>
      %abs3A = math.absf %sub3A : vector<16xf32>
      %mul3A_109 = arith.constant 16 : i32
      %mul3A_110 = arith.muli %scan3A_100, %mul3A_109 : i32
      %swap3A_111 = arith.index_cast %mul3A_110 : i32 to index
      %swap3A_112 = tpu.vector_load %arg23[%swap3A_111] {strides = array<i32>} : memref<6528xf32, #tpu.memory_space<vmem>>, vector<16xf32>,
      tpu.vector_store %arg23[%swap3A_111], %broadcast_in_dim3A_16 {strides = array<i32>} : memref<6528xf32, #tpu.memory_space<vmem>>, vector<16xf32>,
      %mul3A_113 = arith.constant 16 : i32
      %mul3A_114 = arith.muli %scan3A_100, %mul3A_113 : i32
      %swap3A_115 = arith.index_cast %mul3A_114 : i32 to index
      %swap3A_116 = tpu.vector_load %arg24[%swap3A_115] {strides = array<i32>} : memref<6528xf32, #tpu.memory_space<vmem>>, vector<16xf32>,
      tpu.vector_store %arg24[%swap3A_115], %broadcast_in_dim3A_16 {strides = array<i32>} : memref<6528xf32, #tpu.memory_space<vmem>>, vector<16xf32>,
      %add3A_117 = arith.addf %scan3A_101, %abs3A : vector<16xf32>
      %scan3A_118 = arith.constant 1 : i32
      %scan3A_119 = arith.addi %scan3A_100, %scan3A_118 : i32
      %mul3A_120 = arith.constant 16 : i32
      %mul3A_121 = arith.muli %scan3A_119, %mul3A_120 : i32
      %get3A_122 = arith.index_cast %mul3A_121 : i32 to index
      %get3A_123 = tpu.vector_load %arg23[%get3A_122] {strides = array<i32>} : memref<6528xf32, #tpu.memory_space<vmem>>, vector<16xf32>,
      %mul3A_124 = arith.constant 16 : i32
      %mul3A_125 = arith.muli %scan3A_119, %mul3A_124 : i32
      %get3A_126 = arith.index_cast %mul3A_125 : i32 to index
      %get3A_127 = tpu.vector_load %arg24[%get3A_126] {strides = array<i32>} : memref<6528xf32, #tpu.memory_space<vmem>>, vector<16xf32>,
      %sub3A_128 = arith.subf %get3A_123, %get3A_127 : vector<16xf32>
      %abs3A_129 = math.absf %sub3A_128 : vector<16xf32>
      %mul3A_130 = arith.constant 16 : i32
      %mul3A_131 = arith.muli %scan3A_119, %mul3A_130 : i32
      %swap3A_132 = arith.index_cast %mul3A_131 : i32 to index
      %swap3A_133 = tpu.vector_load %arg23[%swap3A_132] {strides = array<i32>} : memref<6528xf32, #tpu.memory_space<vmem>>, vector<16xf32>,
      tpu.vector_store %arg23[%swap3A_132], %broadcast_in_dim3A_16 {strides = array<i32>} : memref<6528xf32, #tpu.memory_space<vmem>>, vector<16xf32>,
      %mul3A_134 = arith.constant 16 : i32
      %mul3A_135 = arith.muli %scan3A_119, %mul3A_134 : i32
      %swap3A_136 = arith.index_cast %mul3A_135 : i32 to index
      %swap3A_137 = tpu.vector_load %arg24[%swap3A_136] {strides = array<i32>} : memref<6528xf32, #tpu.memory_space<vmem>>, vector<16xf32>,
      tpu.vector_store %arg24[%swap3A_136], %broadcast_in_dim3A_16 {strides = array<i32>} : memref<6528xf32, #tpu.memory_space<vmem>>, vector<16xf32>,
      %add3A_138 = arith.addf %add3A_117, %abs3A_129 : vector<16xf32>
      scf.yield %add3A_138 : vector<16xf32>
    }
    %scan3A_81 = arith.constant 384 : i32
    %dma_wait3A_82 = arith.constant 0 : i32
    %dma_wait3A_83 = tpu.memref_slice %arg5[%dma_wait3A_82] : memref<262144xf32, #tpu.memory_space<hbm>> -> memref<262144xf32, #tpu.memory_space<hbm>>
    tpu.wait_indirect_dma semaphore(%arg32 : memref<!tpu.dma_semaphore, #tpu.memory_space<semaphore_mem>>) src(%dma_wait3A_83 : memref<262144xf32, #tpu.memory_space<hbm>>) dst(%arg21 : memref<8320xf32, #tpu.memory_space<vmem>>)
    %dma_wait3A_84 = arith.constant 0 : i32
    %dma_wait3A_85 = tpu.memref_slice %arg9[%dma_wait3A_84] : memref<262144xf32, #tpu.memory_space<hbm>> -> memref<262144xf32, #tpu.memory_space<hbm>>
    tpu.wait_indirect_dma semaphore(%arg33 : memref<!tpu.dma_semaphore, #tpu.memory_space<semaphore_mem>>) src(%dma_wait3A_85 : memref<262144xf32, #tpu.memory_space<hbm>>) dst(%arg22 : memref<8320xf32, #tpu.memory_space<vmem>>)
    %scan3A_86 = arith.constant 0 : i32
    %scan3A_87 = arith.constant 0 : i32
    %scan3A_88 = arith.constant 520 : i32
    %scan3A_89 = arith.addi %scan3A_87, %scan3A_88 : i32
    %scan3A_90 = arith.constant 2 : i32
    %scan3A_91 = scf.for %scan3A_100 = %scan3A_87 to %scan3A_89 step %scan3A_90 iter_args(%scan3A_101 = %scan3A_86) -> (i32)  : i32 {
      %mul3A_102 = arith.constant 16 : i32
      %mul3A_103 = arith.muli %scan3A_100, %mul3A_102 : i32
      %get3A = arith.index_cast %mul3A_103 : i32 to index
      %get3A_104 = tpu.vector_load %arg14[%get3A] {strides = array<i32>} : memref<8320xi32, #tpu.memory_space<vmem>>, vector<16xi32>,
      %mul3A_105 = arith.constant 16 : i32
      %mul3A_106 = arith.muli %scan3A_100, %mul3A_105 : i32
      %get3A_107 = arith.index_cast %mul3A_106 : i32 to index
      %get3A_108 = tpu.vector_load %arg21[%get3A_107] {strides = array<i32>} : memref<8320xf32, #tpu.memory_space<vmem>>, vector<16xf32>,
      %mul3A_109 = arith.constant 16 : i32
      %mul3A_110 = arith.muli %scan3A_100, %mul3A_109 : i32
      %get3A_111 = arith.index_cast %mul3A_110 : i32 to index
      %get3A_112 = tpu.vector_load %arg22[%get3A_111] {strides = array<i32>} : memref<8320xf32, #tpu.memory_space<vmem>>, vector<16xf32>,
      %gather3A = tpu.vector_load_idx %arg23[%get3A_104] : memref<6528xf32, #tpu.memory_space<vmem>>[vector<16xi32>], vector<16xf32>,
      %max3A = arith.maximumf %gather3A, %get3A_108 : vector<16xf32>
      tpu.vector_store_idx %arg23[%get3A_104], %max3A : memref<6528xf32, #tpu.memory_space<vmem>>[vector<16xi32>], vector<16xf32>,
      %gather3A_113 = tpu.vector_load_idx %arg24[%get3A_104] : memref<6528xf32, #tpu.memory_space<vmem>>[vector<16xi32>], vector<16xf32>,
      %max3A_114 = arith.maximumf %gather3A_113, %get3A_112 : vector<16xf32>
      tpu.vector_store_idx %arg24[%get3A_104], %max3A_114 : memref<6528xf32, #tpu.memory_space<vmem>>[vector<16xi32>], vector<16xf32>,
      %scan3A_115 = arith.constant 0 : i32
      %scan3A_116 = arith.constant 1 : i32
      %scan3A_117 = arith.addi %scan3A_100, %scan3A_116 : i32
      %mul3A_118 = arith.constant 16 : i32
      %mul3A_119 = arith.muli %scan3A_117, %mul3A_118 : i32
      %get3A_120 = arith.index_cast %mul3A_119 : i32 to index
      %get3A_121 = tpu.vector_load %arg14[%get3A_120] {strides = array<i32>} : memref<8320xi32, #tpu.memory_space<vmem>>, vector<16xi32>,
      %mul3A_122 = arith.constant 16 : i32
      %mul3A_123 = arith.muli %scan3A_117, %mul3A_122 : i32
      %get3A_124 = arith.index_cast %mul3A_123 : i32 to index
      %get3A_125 = tpu.vector_load %arg21[%get3A_124] {strides = array<i32>} : memref<8320xf32, #tpu.memory_space<vmem>>, vector<16xf32>,
      %mul3A_126 = arith.constant 16 : i32
      %mul3A_127 = arith.muli %scan3A_117, %mul3A_126 : i32
      %get3A_128 = arith.index_cast %mul3A_127 : i32 to index
      %get3A_129 = tpu.vector_load %arg22[%get3A_128] {strides = array<i32>} : memref<8320xf32, #tpu.memory_space<vmem>>, vector<16xf32>,
      %gather3A_130 = tpu.vector_load_idx %arg23[%get3A_121] : memref<6528xf32, #tpu.memory_space<vmem>>[vector<16xi32>], vector<16xf32>,
      %max3A_131 = arith.maximumf %gather3A_130, %get3A_125 : vector<16xf32>
      tpu.vector_store_idx %arg23[%get3A_121], %max3A_131 : memref<6528xf32, #tpu.memory_space<vmem>>[vector<16xi32>], vector<16xf32>,
      %gather3A_132 = tpu.vector_load_idx %arg24[%get3A_121] : memref<6528xf32, #tpu.memory_space<vmem>>[vector<16xi32>], vector<16xf32>,
      %max3A_133 = arith.maximumf %gather3A_132, %get3A_129 : vector<16xf32>
      tpu.vector_store_idx %arg24[%get3A_121], %max3A_133 : memref<6528xf32, #tpu.memory_space<vmem>>[vector<16xi32>], vector<16xf32>,
      %scan3A_134 = arith.constant 0 : i32
      scf.yield %scan3A_134 : i32
    }
    %scan3A_92 = arith.constant 520 : i32
    %scan3A_93 = arith.constant 0 : i32
    %scan3A_94 = arith.constant 384 : i32
    %scan3A_95 = arith.addi %scan3A_93, %scan3A_94 : i32
    %scan3A_96 = arith.constant 2 : i32
    %scan3A_97 = scf.for %scan3A_100 = %scan3A_93 to %scan3A_95 step %scan3A_96 iter_args(%scan3A_101 = %scan3A_80) -> (vector<16xf32>)  : i32 {
      %mul3A_102 = arith.constant 16 : i32
      %mul3A_103 = arith.muli %scan3A_100, %mul3A_102 : i32
      %get3A = arith.index_cast %mul3A_103 : i32 to index
      %get3A_104 = tpu.vector_load %arg23[%get3A] {strides = array<i32>} : memref<6528xf32, #tpu.memory_space<vmem>>, vector<16xf32>,
      %mul3A_105 = arith.constant 16 : i32
      %mul3A_106 = arith.muli %scan3A_100, %mul3A_105 : i32
      %get3A_107 = arith.index_cast %mul3A_106 : i32 to index
      %get3A_108 = tpu.vector_load %arg24[%get3A_107] {strides = array<i32>} : memref<6528xf32, #tpu.memory_space<vmem>>, vector<16xf32>,
      %sub3A = arith.subf %get3A_104, %get3A_108 : vector<16xf32>
      %abs3A = math.absf %sub3A : vector<16xf32>
      %add3A_109 = arith.addf %scan3A_101, %abs3A : vector<16xf32>
      %scan3A_110 = arith.constant 1 : i32
      %scan3A_111 = arith.addi %scan3A_100, %scan3A_110 : i32
      %mul3A_112 = arith.constant 16 : i32
      %mul3A_113 = arith.muli %scan3A_111, %mul3A_112 : i32
      %get3A_114 = arith.index_cast %mul3A_113 : i32 to index
      %get3A_115 = tpu.vector_load %arg23[%get3A_114] {strides = array<i32>} : memref<6528xf32, #tpu.memory_space<vmem>>, vector<16xf32>,
      %mul3A_116 = arith.constant 16 : i32
      %mul3A_117 = arith.muli %scan3A_111, %mul3A_116 : i32
      %get3A_118 = arith.index_cast %mul3A_117 : i32 to index
      %get3A_119 = tpu.vector_load %arg24[%get3A_118] {strides = array<i32>} : memref<6528xf32, #tpu.memory_space<vmem>>, vector<16xf32>,
      %sub3A_120 = arith.subf %get3A_115, %get3A_119 : vector<16xf32>
      %abs3A_121 = math.absf %sub3A_120 : vector<16xf32>
      %add3A_122 = arith.addf %add3A_109, %abs3A_121 : vector<16xf32>
      scf.yield %add3A_122 : vector<16xf32>
    }
    %scan3A_98 = arith.constant 384 : i32
    %swap3A = arith.constant 0 : index
    %swap3A_99 = tpu.vector_load %arg25[%swap3A] {strides = array<i32>} : memref<16xf32, #tpu.memory_space<vmem>>, vector<16xf32>,
    tpu.vector_store %arg25[%swap3A], %scan3A_97 {strides = array<i32>} : memref<16xf32, #tpu.memory_space<vmem>>, vector<16xf32>,
    "tpu.region"() ({
      %run_scoped3A = tpu.sem_alloc : memref<!tpu.dma_semaphore, #tpu.memory_space<semaphore_mem>>
      %dma_start3A_100 = arith.constant 0 : i32
      %dma_start3A_101 = tpu.memref_slice %arg12[%add3A, %dma_start3A_100] : memref<32x16xf32, #tpu.memory_space<hbm>> -> memref<1x16xf32, #tpu.memory_space<hbm>>
      %dma_start3A_102 = tpu.memref_squeeze %dma_start3A_101 : memref<1x16xf32, #tpu.memory_space<hbm>> -> memref<16xf32, #tpu.memory_space<hbm>>
      %dma_start3A_103 = arith.constant 0 : i32
      %dma_start3A_104 = tpu.memref_slice %arg12[%add3A, %dma_start3A_103] : memref<32x16xf32, #tpu.memory_space<hbm>> -> memref<1x16xf32, #tpu.memory_space<hbm>>
      %dma_start3A_105 = tpu.memref_squeeze %dma_start3A_104 : memref<1x16xf32, #tpu.memory_space<hbm>> -> memref<16xf32, #tpu.memory_space<hbm>>
      tpu.enqueue_dma source(%arg25 : memref<16xf32, #tpu.memory_space<vmem>>) target(%dma_start3A_105 : memref<16xf32, #tpu.memory_space<hbm>>) target_semaphore(%run_scoped3A : memref<!tpu.dma_semaphore, #tpu.memory_space<semaphore_mem>>)
      %dma_wait3A_106 = arith.constant 0 : i32
      %dma_wait3A_107 = tpu.memref_slice %arg12[%add3A, %dma_wait3A_106] : memref<32x16xf32, #tpu.memory_space<hbm>> -> memref<1x16xf32, #tpu.memory_space<hbm>>
      %dma_wait3A_108 = tpu.memref_squeeze %dma_wait3A_107 : memref<1x16xf32, #tpu.memory_space<hbm>> -> memref<16xf32, #tpu.memory_space<hbm>>
      %dma_wait3A_109 = arith.constant 0 : i32
      %dma_wait3A_110 = tpu.memref_slice %arg12[%add3A, %dma_wait3A_109] : memref<32x16xf32, #tpu.memory_space<hbm>> -> memref<1x16xf32, #tpu.memory_space<hbm>>
      %dma_wait3A_111 = tpu.memref_squeeze %dma_wait3A_110 : memref<1x16xf32, #tpu.memory_space<hbm>> -> memref<16xf32, #tpu.memory_space<hbm>>
      tpu.wait_dma2 semaphore(%run_scoped3A : memref<!tpu.dma_semaphore, #tpu.memory_space<semaphore_mem>>) src(%arg25 : memref<16xf32, #tpu.memory_space<vmem>>) dst(%dma_wait3A_111 : memref<16xf32, #tpu.memory_space<hbm>>)
      tpu.yield
    }) : () -> ()
    return
  }
}

</mosaic_0001>

<sc_bundles>
// kernel: kernel.3.cloned.1.call-start
scs
__scs_entry_jumppad:
0x0: {  	(pc) =	sbr.rel $0x88, $3  }
0x1: {  	(tag) =	ssettag $0x0;
	lr =	simm.s32 $0x1  }
0x2: {  	[smem:$0x3F9F] =	sst lr;
	_ =	strace $0xD0000000  }
0x3: {  	_ = 	snop  }
0x4: {  	_ = 	snop  }
0x5: {  	_ = 	snop  }
0x6: {  	_ = 	snop  }
0x7: {  	_ = 	snop  }
__scs_overlays_trampoline_lowered:
0x8: {  	[smem:$0x3FAE] =	sst s0  }
0x9: {  	[smem:$0x3FAF] =	sst s1  }
0xa: {  	[smem:$0x3FB0] =	sst s2  }
0xb: {  	[smem:$0x3FB1] =	sst s3  }
0xc: {  	[smem:$0x3FB2] =	sst s4  }
0xd: {  	[smem:$0x3FB3] =	sst s5  }
0xe: {  	[smem:$0x3FB4] =	sst s6  }
0xf: {  	[smem:$0x3FB5] =	sst s7  }
0x10: {  	[smem:$0x3FB6] =	sst s8  }
0x11: {  	[smem:$0x3FB7] =	sst s9;
	s0 =	simm.s32 @!p0 $0x0  }
0x12: {  	s1 =	sld [smem:$0x3F9D];
	s0 =	simm.s32 @p0 $0x1  }
0x13: {  	[smem:$0x3FB8] =	sst s0;
	s0 =	simm.s32 @!p1 $0x0  }
0x14: {  	s2 =	sld [smem:$0x3F9C];
	s0 =	simm.s32 @p1 $0x1  }
0x15: {  	[smem:$0x3FB9] =	sst s0;
	s0 =	simm.s32 @!p2 $0x0  }
0x16: {  	s3 =	sld [smem:$0x3FDB];
	s0 =	simm.s32 @p2 $0x1  }
0x17: {  	s4 =	simm.s32 $0x1BF5;
	[smem:$0x3FBB] =	sst s0  }
0x18: {  	s0 =	sld [smem:$0x3F9E];
	_ =	swait.ge [sflag:s4], $0x0  }
0x19: {  	s7 =	sld [smem:$0x3F9F]  }
0x1a: {  	s8 =	sadd.s32 $0xFFFFE003, lr  }
0x1b: {  	s9 =	sadd.s32 $0xFFFFFEF7, lr;
	s5 =	simm.s32 $0xFFFFFFFF;
	p2 =	slt.u32 s8, $0xFFFFF086  }
0x1c: {  	p1 =	slt.u32 s9, $0xF7A;
	s5 =	simm.s32 @!p2 $0x0  }
0x1d: {  	s5 =	simm.s32 @p1 $0x1;
	p0 =	seq.s32 s7, s2  }
0x1e: {  	s7 =	smul.u32 @!p0 $0xF7A, s2;
	p2 =	seq.s32 @!p0 s5, $0x0  }
0x1f: {  	s9 =	smul.u32 $0xF7A, s1;
	s8 =	simm.s32 @!p0 $0x1BF5;
	p2 =	por !p2, p0  }
0x20: {  	[sflag:s8] =	ssyncset.s32 @!p0 $0xFFFFF086;
	s6 =	sadd.s32 @!p0 s3, s7;
	s7 =	simm.s32 @!p0 $0x108  }
0x21: {  	s3 =	sadd.s32 s3, s9;
	s6 =	sadd.s32 @!p0 $0x88, s6;
	s7 =	simm.s32 @p2 $0x1082  }
0x22: {  	[simem:s7], [sflag:s8] =	dma.local @!p0 [hbm:s6], $0xF7A  }
0x23: {  	s9 =	sor.u32 $0xD0000000, s2;
	s6 =	simm.s32 $0x108;
	_ =	swait.ge @!p0 [sflag:s8], $0x0  }
0x24: {  	s3 =	sadd.s32 $0x88, s3;
	s6 =	simm.s32 @!p1 $0x1082;
	[sflag:s4] =	ssyncset.s32 $0xFFFFF086  }
0x25: {  	[simem:s6], [sflag:s4] =	dma.local [hbm:s3], $0xF7A  }
0x26: {  	[smem:$0x3F9F] =	sst s1;
	(tag) =	ssettag s2;
	_ =	strace s9  }
0x27: {  	s1 =	sld [smem:$0x3FAF]  }
0x28: {  	s2 =	sld [smem:$0x3FB0]  }
0x29: {  	s4 =	sld [smem:$0x3FB2]  }
0x2a: {  	p0 =	seq.s32 s5, $0x0;
	s5 =	sld [smem:$0x3FB3]  }
0x2b: {  	s6 =	sld [smem:$0x3FB4]  }
0x2c: {  	s7 =	sld [smem:$0x3FB5]  }
0x2d: {  	s3 =	simm.s32 $0x108;
	s8 =	sld [smem:$0x3FB6]  }
0x2e: {  	s3 =	simm.s32 @!p0 $0x1082;
	s9 =	sld [smem:$0x3FB7]  }
0x2f: {  	lr =	sadd.s32 s0, s3;
	s0 =	sld [smem:$0x3FAE]  }
0x30: {  	s3 =	sld [smem:$0x3FB1]  }
0x31: {  	[smem:$0x3FBA] =	sst s10  }
0x32: {  	s10 =	sld [smem:$0x3FB8];
	_ =	sdelay $0x3  }
0x33: {  	p0 =	seq.s32 s10, $0x1;
	s10 =	sld [smem:$0x3FBA];
	_ =	sdelay $0x3  }
0x34: {  	[smem:$0x3FBA] =	sst s10  }
0x35: {  	s10 =	sld [smem:$0x3FB9];
	_ =	sdelay $0x3  }
0x36: {  	p1 =	seq.s32 s10, $0x1;
	s10 =	sld [smem:$0x3FBA];
	_ =	sdelay $0x3  }
0x37: {  	[smem:$0x3FBA] =	sst s10  }
0x38: {  	s10 =	sld [smem:$0x3FBB]  }
0x39: {  	_ = 	snop;
	(pc) =	sbr.ind lr, $3  }
0x3a: {  	_ = 	snop  }
0x3b: {  	_ = 	snop  }
0x3c: {  	p2 =	seq.s32 s10, $0x1;
	s10 =	sld [smem:$0x3FBA]  }
0x3d: {  	_ =	shalt  }
0x3e: {  	_ =	shalt  }
0x3f: {  	_ =	shalt  }
0x40: {  	_ =	shalt  }
0x41: {  	_ =	shalt  }
0x42: {  	_ =	shalt  }
0x43: {  	_ =	shalt  }
0x44: {  	_ =	shalt  }
0x45: {  	_ =	shalt  }
0x46: {  	_ =	shalt  }
0x47: {  	_ =	shalt  }
0x48: {  	_ =	shalt  }
0x49: {  	_ =	shalt  }
0x4a: {  	_ =	shalt  }
0x4b: {  	_ =	shalt  }
0x4c: {  	_ =	shalt  }
0x4d: {  	_ =	shalt  }
0x4e: {  	_ =	shalt  }
0x4f: {  	_ =	shalt  }
0x50: {  	_ =	shalt  }
0x51: {  	_ =	shalt  }
0x52: {  	_ =	shalt  }
0x53: {  	_ =	shalt  }
0x54: {  	_ =	shalt  }
0x55: {  	_ =	shalt  }
0x56: {  	_ =	shalt  }
0x57: {  	_ =	shalt  }
0x58: {  	_ =	shalt  }
0x59: {  	_ =	shalt  }
0x5a: {  	_ =	shalt  }
0x5b: {  	_ =	shalt  }
0x5c: {  	_ =	shalt  }
0x5d: {  	_ =	shalt  }
0x5e: {  	_ =	shalt  }
0x5f: {  	_ =	shalt  }
0x60: {  	_ =	shalt  }
0x61: {  	_ =	shalt  }
0x62: {  	_ =	shalt  }
0x63: {  	_ =	shalt  }
0x64: {  	_ =	shalt  }
0x65: {  	_ =	shalt  }
0x66: {  	_ =	shalt  }
0x67: {  	_ =	shalt  }
0x68: {  	_ =	shalt  }
0x69: {  	_ =	shalt  }
0x6a: {  	_ =	shalt  }
0x6b: {  	_ =	shalt  }
0x6c: {  	_ =	shalt  }
0x6d: {  	_ =	shalt  }
0x6e: {  	_ =	shalt  }
0x6f: {  	_ =	shalt  }
0x70: {  	_ =	shalt  }
0x71: {  	_ =	shalt  }
0x72: {  	_ =	shalt  }
0x73: {  	_ =	shalt  }
0x74: {  	_ =	shalt  }
0x75: {  	_ =	shalt  }
0x76: {  	_ =	shalt  }
0x77: {  	_ =	shalt  }
0x78: {  	_ =	shalt  }
0x79: {  	_ =	shalt  }
0x7a: {  	_ =	shalt  }
0x7b: {  	_ =	shalt  }
0x7c: {  	_ =	shalt  }
0x7d: {  	_ =	shalt  }
0x7e: {  	_ =	shalt  }
0x7f: {  	_ =	shalt  }
0x80: {  	_ =	shalt  }
0x81: {  	_ =	shalt  }
0x82: {  	_ =	shalt  }
0x83: {  	_ =	shalt  }
0x84: {  	_ =	shalt  }
0x85: {  	_ =	shalt  }
0x86: {  	_ =	shalt  }
0x87: {  	_ =	shalt  }
.Lfunc_end0:
.L_simem_size_0:
called_computation_lowered:
.L_overlay_start_0:
0x88: {  	s2 =	sld [smem:$0x3FD9]  }
0x89: {  	s3 =	sld [smem:$0x3FFE];
	_ =	sdelay $0x1  }
0x8a: {  	s1 =	srdreg.scid  }
0x8b: {  	s0 =	sand.u32 $0x1, s1  }
0x8c: {  	s16 =	sshll.u32 s0, $0xA;
	s2 =	sadd.s32 s3, s2  }
0x8d: {  	s2 =	sadd.s32 s2, s16  }
0x8e: {  	[smem:$0x3FC6] =	sst s2  }
0x8f: {  	_ = 	snop  }
0x90: {  	(tm) =	ssettm $0x1  }
0x91: {  	s17 =	sld [smem:$0x3FFB];
	_ =	sdelay $0x3  }
0x92: {  	_ =	strace s17  }
0x93: {  	s2 =	sld [smem:$0x3FFC];
	_ =	sdelay $0x3  }
0x94: {  	_ =	strace s2  }
0x95: {  	s2 =	sld [smem:$0x3FFD];
	_ =	sdelay $0x3  }
0x96: {  	_ =	strace s2  }
0x97: {  	_ =	strace $0x8FFFFFFF  }
0x98: {  	s18 =	sld [smem:$0x3FDB];
	_ =	sdelay $0x1  }
0x99: {  	s19 =	simm.s32 $_scs_section_size  }
0x9a: {  	s4 =	simm.s32 $_size__tile_overlayer_lowered;
	s5 =	simm.s32 $_tile_overlayer_lowered  }
0x9b: {  	s22 =	simm.s32 $0x1BFF;
	s21 =	sshll.u32 s5, $0x1;
	s2 =	sadd.s32 s19, s18  }
0x9c: {  	s6 =	simm.s32 $0x0;
	s20 =	sshll.u32 s4, $0x1;
	s4 =	sadd.s32 s21, s2  }
0x9d: {  	[timem:s6], [sflag:s22] =	dma.local [hbm:s4], s20  }
0x9e: {  	_ =	swait.ge [sflag:s22], s20  }
0x9f: {  	s3 =	ssub.s32 $0x0, s20;
	[sflag:s22] =	ssyncset.done $0x0  }
0xa0: {  	[sflag:s22] =	ssyncadd.s32 s3;
	_ =	sdelay $0x1  }
0xa1: {  	s23 =	simm.s32 $0x1B8B  }
0xa2: {  	_ =	swait.ge [sflag:s23], $0x1  }
0xa3: {  	[sflag:s23] =	ssyncset.done $0x0  }
0xa4: {  	s25 =	simm.s32 $0x1B8E;
	s24 =	sld [smem:$0x3FFE];
	[sflag:s23] =	ssyncadd.s32 $0xFFFFFFFF  }
0xa5: {  	s26 =	simm.s32 $execute0_lowered;
	[smem:$0x3FD2] =	sst s25  }
0xa6: {  	s4 =	sshll.u32 s26, $0x1;
	_ =	strace $0x80000046;
	[dreg:$0x1] =	wrdreg $0xFFFFFFFF  }
0xa7: {  	s28 =	simm.s32 $_size_execute0_lowered;
	s2 =	sadd.s32 s2, s4;
	[dreg:$0x0] =	wrdreg $0x0  }
0xa8: {  	s4 =	sshll.u32 s28, $0x1;
	[dreg:$0x2] =	wrdreg s2  }
0xa9: {  	[dreg:$0x3] =	wrdreg s4  }
0xaa: {  	[dreg:$0x4] =	wrdreg $0xC0  }
0xab: {  	_ =	task [dreg:s6], $0x5FFFF  }
0xac: {  	[dreg:$0x1] =	wrdreg $0xFFFFFFFF  }
0xad: {  	[dreg:$0x0] =	wrdreg $0x60  }
0xae: {  	[dreg:$0x2] =	wrdreg s24  }
0xaf: {  	[dreg:$0x3] =	wrdreg $0x9  }
0xb0: {  	_ =	task.clear_ibuf [dreg:s6], $0x4FFFF;
	_ =	strace $0x90000046  }
0xb1: {  	s29 =	simm.s32 $0x9;
	_ =	strace $0x80000048  }
0xb2: {  	_ =	swait.ge [sflag:s29], $0x1  }
0xb3: {  	[sflag:s29] =	ssyncadd.s32 $0xFFFFFFFF  }
0xb4: {  	_ =	strace $0x90000048  }
0xb5: {  	_ =	sfence  }
0xb6: {  	s30 =	sld [smem:$0x0];
	_ =	sdelay $0x2  }
0xb7: {  	s31 =	sshll.u32 s1, $0xD;
	s1 =	sshrl.u32 s1, $0x2  }
0xb8: {  	s3 =	sand.u32 $0x4000, s31;
	s1 =	sadd.s32 s1, s30  }
0xb9: {  	s0 =	sor.u32 s3, s0;
	s1 =	sshll.u32 s1, $0x11  }
0xba: {  	s0 =	sor.u32 s1, s0  }
0xbb: {  	s0 =	sadd.s32 $0x8F2B, s0  }
0xbc: {  	[sflag:s0] =	ssyncadd.remote.s32 $0x1  }
0xbd: {  	_ =	sfence.sel $0xFFFF  }
0xbe: {  	[dreg:$0x0] =	wrdreg $0xFFFFFFFF;
	(pc) =	sbr.abs _section_cstart, $3  }
0xbf: {  	[dreg:$0x1] =	wrdreg $0xFFFFFFFF  }
0xc0: {  	_ =	task.clear_ibuf [dreg:s6], $0x2FFFF;
	_ =	strace $0x9FFFFFFF  }
0xc1: {  	(tm) =	ssettm $0x7FFFFFFF  }
tec
execute0_lowered:
.L_overlay_start_1:
0x0: {  	(tag) =	ssettag $0x1  }
0x1: {  	s0 =	rddreg [dreg:$0x0]  }
0x2: {  	s1 =	simm.s32 $0x0;
	s24 =	srdreg.scid;
	s4 =	stileid.u32  }
0x3: {  	s15 =	simm.s32 $0x80;
	s16 =	simm.s32 $0x400;
	s17 =	simm.s32 $0x9  }
0x4: {  	s18 =	simm.s32 $0x2080;
	s28 =	simm.s32 $0x1;
	s29 =	simm.s32 $0x14500  }
0x5: {  	s30 =	simm.s32 $0x2;
	s31 =	simm.s32 $0x15E80;
	s19 =	simm.s32 $0x5  }
0x6: {  	s20 =	simm.s32 $0x6;
	[smem:$0x7FF] =	sst s1;
	s2 =	sadd.s32 $0x38A00, s0  }
0x7: {  	s21 =	sadd.s32 $0x10A00, s0;
	s22 =	sadd.s32 $0x8A00, s0;
	s23 =	sadd.s32 $0xA00, s0  }
0x8: {  	s7 =	sadd.s32 $0x30A00, s0;
	_ =	strace $0x80000047;
	[dreg:$0x2] =	wrdreg s2  }
0x9: {  	s3 =	sshrl.u32 s4, $0x2;
	s4 =	sshll.u32 s4, $0x8;
	[dreg:$0x3] =	wrdreg s21  }
0xa: {  	s8 =	sadd.s32 $0x28A00, s0;
	s9 =	sadd.s32 $0x20A00, s0;
	[dreg:$0x4] =	wrdreg s22  }
0xb: {  	s10 =	sadd.s32 $0x18A00, s0;
	[dreg:$0x5] =	wrdreg s23;
	s2 =	sand.u32 $0x1, s24  }
0xc: {  	s4 =	sand.u32 $0x300, s4;
	s6 =	smul.u32 $0x10400, s3;
	s3 =	sshll.u32 s3, $0xA  }
0xd: {  	s21 =	simm.s32 $0x7;
	s22 =	simm.s32 $0x8;
	s5 =	sshll.u32 s2, $0x7  }
0xe: {  	s24 =	simm.s32 $0x0;
	s2 =	ssub.s32 $0x2, s2;
	s4 =	sor.u32 s5, s4  }
0xf: {  	s26 =	sshrl.u32 s2, $0x1;
	s5 =	sor.u32 s6, s4;
	s3 =	sor.u32 s3, s4  }
0x10: {  	s2 =	ssub.s32 s2, s26;
	s4 =	simm.s32 $0x4;
	s5 =	sshrl.u32 s5, $0x3  }
0x11: {  	s6 =	simm.s32 $0x14510;
	s3 =	sshrl.u32 s3, $0x3;
	s25 =	sadd.s32 s5, s0  }
0x12: {  	s14 =	smax.u32 s2, $0x1;
	s0 =	sadd.s32 s3, s0;
	s11 =	sadd.s32 $0x40A00, s25  }
0x13: {  	v0 =	vimm.f32 $0.0e+00;
	s12 =	sadd.s32 $0x48C00, s25;
	s13 =	sadd.s32 $0x50E00, s0;
	s0 =	simm.s32 $0x3  }
.LBB2_1:
0x14: {  	[tilespmem:s1], [sflag:$0x9] =	stream.strided.gather [hbm4b:s11+s15], $0x2080, s16, s15, $0x38;
	[tilespmem:$0x17880] =	vst v63  }
0x15: {  	_ =	swait.ge [sflag:s17], $0x2080  }
0x16: {  	[sflag:s17] =	ssyncset.done $0x0  }
0x17: {  	[sflag:s17] =	ssyncadd.s32 $0xFFFFDF80  }
0x18: {  	[tilespmem:s18], [sflag:$0x9] =	stream.strided.gather [hbm4b:s12+s15], $0x2080, s16, s15, $0x38;
	[tilespmem:$0x17880] =	vst v63  }
0x19: {  	_ =	swait.ge [sflag:s17], $0x2080  }
0x1a: {  	[sflag:s17] =	ssyncset.done $0x0  }
0x1b: {  	s3 =	simm.s32 $0x4100;
	s2 =	rddreg [dreg:$0x2];
	[sflag:s17] =	ssyncadd.s32 $0xFFFFDF80  }
0x1c: {  	[tilespmem:s3], [sflag:$0x1] =	stream.indirect.gather [hbm4b:s2+s18], $0x1, s1, s18, $0xb8;
	[tilespmem:$0x17880] =	vst v63  }
0x1d: {  	s26 =	simm.s32 $0x6180  }
0x1e: {  	[tilespmem:s26], [sflag:$0x2] =	stream.indirect.gather [hbm4b:s7+s18], $0x1, s1, s18, $0xb8;
	[tilespmem:$0x17880] =	vst v63  }
0x1f: {  	s5 =	simm.s32 $0x8200;
	s3 =	rddreg [dreg:$0x3]  }
0x20: {  	[tilespmem:s5], [sflag:$0x3] =	stream.indirect.gather [hbm4b:s3+s18], $0x1, s1, s18, $0xb8;
	[tilespmem:$0x17880] =	vst v63  }
0x21: {  	s23 =	simm.s32 $0xA280  }
0x22: {  	[tilespmem:s23], [sflag:$0x4] =	stream.indirect.gather [hbm4b:s8+s18], $0x1, s1, s18, $0xb8;
	[tilespmem:$0x17880] =	vst v63  }
0x23: {  	s25 =	rddreg [dreg:$0x4];
	s26 =	simm.s32 $0xC300  }
0x24: {  	[tilespmem:s26], [sflag:$0x5] =	stream.indirect.gather [hbm4b:s25+s18], $0x1, s1, s18, $0xb8;
	[tilespmem:$0x17880] =	vst v63  }
0x25: {  	s5 =	simm.s32 $0xE380  }
0x26: {  	[tilespmem:s5], [sflag:$0x6] =	stream.indirect.gather [hbm4b:s9+s18], $0x1, s1, s18, $0xb8;
	[tilespmem:$0x17880] =	vst v63  }
0x27: {  	s23 =	rddreg [dreg:$0x5];
	s25 =	simm.s32 $0x10400  }
0x28: {  	[tilespmem:s25], [sflag:$0x7] =	stream.indirect.gather [hbm4b:s23+s18], $0x1, s1, s18, $0xb8;
	[tilespmem:$0x17880] =	vst v63  }
0x29: {  	s2 =	simm.s32 $0x40;
	s3 =	simm.s32 $0x0;
	s26 =	simm.s32 $0x12480  }
0x2a: {  	[tilespmem:s26], [sflag:$0x8] =	stream.indirect.gather [hbm4b:s10+s18], $0x1, s1, s18, $0xb8;
	[tilespmem:$0x17880] =	vst v63  }
.LBB2_2:
0x2b: {  	p0 =	sne.s32 s2, $0x5FC0;
	[tilespmem:s3+$0x14500] =	vst v0;
	s5 =	smov.u32 s2;
	s2 =	sadd.s32 $0x40, s2  }
.Ltmp0:
0x2c: {  	[tilespmem:s3+$0x15E80] =	vst v0;
	(pc) =	sbr.rel @p0 .LBB2_2-.Ltmp0, $2  }
0x2d: {  	_ =	sdelay $0x2  }
0x2e: {  	s3 =	sshra.s32 s5, $0x2  }
0x2f: {  	[tilespmem:s3+$0x14500] =	vst v0  }
0x30: {  	[tilespmem:s3+$0x15E80] =	vst v0  }
0x31: {  	_ =	swait.ge [sflag:s28], $0x2080  }
0x32: {  	s2 =	simm.s32 $0xFFFFFFFE;
	[sflag:s28] =	ssyncset.done $0x0  }
0x33: {  	s3 =	simm.s32 $0x4110;
	s23 =	simm.s32 $0x2090;
	[sflag:s28] =	ssyncadd.s32 $0xFFFFDF80  }
.LBB2_4:
0x34: {  	v1 =	vld [tilespmem:s23+$0xFFFFFFF0];
	_ =	sdelay $0x6  }
0x35: {  	v2 =	vld [tilespmem:s3+$0xFFFFFFF0]  }
0x36: {  	v3 =	vld.idx.msk [tilespmem:v1+s29+$0x0], $0xffff;
	_ =	sdelay $0x4  }
0x37: {  	v2 =	vmax.f32 v3, v2  }
0x38: {  	[tilespmem:v1+s29+$0x0] =	vst.idx.msk $0xffff, v2  }
0x39: {  	v1 =	vld [tilespmem:s23+$0x0];
	_ =	sdelay $0x6  }
0x3a: {  	v2 =	vld [tilespmem:s3+$0x0]  }
0x3b: {  	s2 =	sadd.s32 $0x2, s2;
	v3 =	vld.idx.msk [tilespmem:v1+s29+$0x0], $0xffff  }
0x3c: {  	p0 =	slt.u32 s2, $0x206  }
.Ltmp1:
0x3d: {  	_ = 	snop;
	(pc) =	sbr.rel @p0 .LBB2_4-.Ltmp1, $3  }
0x3e: {  	_ =	sdelay $0x1  }
0x3f: {  	v2 =	vmax.f32 v3, v2  }
0x40: {  	s3 =	sadd.s32 $0x20, s3;
	s23 =	sadd.s32 $0x20, s23;
	[tilespmem:v1+s29+$0x0] =	vst.idx.msk $0xffff, v2  }
0x41: {  	_ =	swait.ge [sflag:s30], $0x2080  }
0x42: {  	s2 =	simm.s32 $0xFFFFFFFE;
	[sflag:s30] =	ssyncset.done $0x0  }
0x43: {  	s3 =	simm.s32 $0x6190;
	s23 =	simm.s32 $0x2090;
	[sflag:s30] =	ssyncadd.s32 $0xFFFFDF80  }
.LBB2_6:
0x44: {  	v1 =	vld [tilespmem:s23+$0xFFFFFFF0];
	_ =	sdelay $0x6  }
0x45: {  	v2 =	vld [tilespmem:s3+$0xFFFFFFF0]  }
0x46: {  	v3 =	vld.idx.msk [tilespmem:v1+s31+$0x0], $0xffff;
	_ =	sdelay $0x4  }
0x47: {  	v2 =	vmax.f32 v3, v2  }
0x48: {  	[tilespmem:v1+s31+$0x0] =	vst.idx.msk $0xffff, v2  }
0x49: {  	v1 =	vld [tilespmem:s23+$0x0];
	_ =	sdelay $0x6  }
0x4a: {  	v2 =	vld [tilespmem:s3+$0x0]  }
0x4b: {  	s2 =	sadd.s32 $0x2, s2;
	v3 =	vld.idx.msk [tilespmem:v1+s31+$0x0], $0xffff  }
0x4c: {  	p0 =	slt.u32 s2, $0x206  }
.Ltmp2:
0x4d: {  	_ = 	snop;
	(pc) =	sbr.rel @p0 .LBB2_6-.Ltmp2, $3  }
0x4e: {  	_ =	sdelay $0x1  }
0x4f: {  	s26 =	simm.s32 $0x15E90;
	v2 =	vmax.f32 v3, v2  }
0x50: {  	v5 =	vimm.f32 $0.0e+00;
	s5 =	simm.s32 $0x14510;
	s3 =	sadd.s32 $0x20, s3;
	s23 =	sadd.s32 $0x20, s23;
	[tilespmem:v1+s31+$0x0] =	vst.idx.msk $0xffff, v2  }
0x51: {  	v2 =	vld [tilespmem:s26+$0xFFFFFFF0]  }
0x52: {  	v4 =	vld [tilespmem:s5+$0xFFFFFFF0];
	[tilespmem:s5+$0xFFFFFFF0] =	vst v0  }
0x53: {  	[tilespmem:s26+$0xFFFFFFF0] =	vst v0;
	v6 =	vld [tilespmem:s26+$0x0]  }
0x54: {  	v7 =	vld [tilespmem:s5+$0x0];
	_ =	sdelay $0x2  }
0x55: {  	s25 =	simm.s32 $0x15EB0;
	[tilespmem:s5+$0x0] =	vst v0  }
0x56: {  	v1 =	vld [tilespmem:s25+$0xFFFFFFF0];
	[tilespmem:s26+$0x0] =	vst v0;
	s26 =	simm.s32 $0x14530;
	v4 =	vsub.f32 v4, v2  }
0x57: {  	v3 =	vld [tilespmem:s26+$0xFFFFFFF0];
	[tilespmem:s26+$0xFFFFFFF0] =	vst v0;
	v6 =	vsub.f32 v7, v6  }
0x58: {  	[tilespmem:s25+$0xFFFFFFF0] =	vst v0;
	v2 =	vld [tilespmem:s25+$0x0];
	v7 =	vand.u32 $0x7FFFFFFF, v4  }
0x59: {  	s23 =	simm.s32 $0x2;
	s2 =	simm.s32 $0x15EB0;
	v4 =	vld [tilespmem:s26+$0x0];
	[tilespmem:s26+$0x0] =	vst v0;
	v5 =	vadd.f32 v7, v5;
	v6 =	vand.u32 $0x7FFFFFFF, v6  }
.LBB2_8:
0x5a: {  	s23 =	sadd.s32 $0x2, s23  }
0x5b: {  	s25 =	sadd.s32 $0x20, s25;
	v5 =	vadd.f32 v6, v5;
	p0 =	slt.u32 s23, $0x17E  }
.Ltmp3:
0x5c: {  	s26 =	sadd.s32 $0x20, s26;
	v6 =	vsub.f32 v3, v1;
	v1 =	vld [tilespmem:s25+$0xFFFFFFF0];
	[tilespmem:s2+$0x0] =	vst v0;
	(pc) =	sbr.rel @p0 .LBB2_8-.Ltmp3, $4  }
0x5d: {  	s2 =	smov.u32 s25;
	v3 =	vld [tilespmem:s26+$0xFFFFFFF0];
	[tilespmem:s26+$0xFFFFFFF0] =	vst v0  }
0x5e: {  	[tilespmem:s25+$0xFFFFFFF0] =	vst v0;
	v6 =	vand.u32 $0x7FFFFFFF, v6;
	v7 =	vsub.f32 v4, v2;
	v2 =	vld [tilespmem:s25+$0x0]  }
0x5f: {  	v4 =	vld [tilespmem:s26+$0x0];
	v5 =	vadd.f32 v6, v5  }
0x60: {  	[tilespmem:s26+$0x0] =	vst v0;
	v6 =	vand.u32 $0x7FFFFFFF, v7  }
0x61: {  	[tilespmem:s2+$0x0] =	vst v0  }
0x62: {  	_ =	swait.ge [sflag:s0], $0x2080;
	v1 =	vsub.f32 v3, v1  }
0x63: {  	v3 =	vadd.f32 v6, v5;
	[sflag:s0] =	ssyncset.done $0x0  }
0x64: {  	[sflag:s0] =	ssyncadd.s32 $0xFFFFDF80;
	v1 =	vand.u32 $0x7FFFFFFF, v1;
	v2 =	vsub.f32 v4, v2  }
0x65: {  	_ =	swait.ge [sflag:s4], $0x2080;
	v1 =	vadd.f32 v1, v3  }
0x66: {  	s23 =	simm.s32 $0xFFFFFFFE;
	s25 =	simm.s32 $0xA290;
	[sflag:s4] =	ssyncset.done $0x0;
	v2 =	vand.u32 $0x7FFFFFFF, v2  }
0x67: {  	s26 =	simm.s32 $0x8210;
	s2 =	simm.s32 $0x2090;
	[sflag:s4] =	ssyncadd.s32 $0xFFFFDF80;
	v1 =	vadd.f32 v2, v1  }
.LBB2_10:
0x68: {  	v2 =	vld [tilespmem:s2+$0xFFFFFFF0];
	_ =	sdelay $0x6  }
0x69: {  	v3 =	vld [tilespmem:s26+$0xFFFFFFF0]  }
0x6a: {  	v4 =	vld.idx.msk [tilespmem:v2+s29+$0x0], $0xffff;
	_ =	sdelay $0x4  }
0x6b: {  	v3 =	vmax.f32 v4, v3  }
0x6c: {  	v5 =	vld [tilespmem:s25+$0xFFFFFFF0];
	[tilespmem:v2+s29+$0x0] =	vst.idx.msk $0xffff, v3  }
0x6d: {  	v3 =	vld.idx.msk [tilespmem:v2+s31+$0x0], $0xffff;
	_ =	sdelay $0x4  }
0x6e: {  	v3 =	vmax.f32 v3, v5  }
0x6f: {  	[tilespmem:v2+s31+$0x0] =	vst.idx.msk $0xffff, v3  }
0x70: {  	v2 =	vld [tilespmem:s2+$0x0];
	_ =	sdelay $0x6  }
0x71: {  	v3 =	vld [tilespmem:s26+$0x0]  }
0x72: {  	v62 =	vld.idx.msk [tilespmem:v2+s29+$0x0], $0xffff;
	_ =	sdelay $0x4  }
0x73: {  	v3 =	vmax.f32 v62, v3  }
0x74: {  	v63 =	vld [tilespmem:s25+$0x0];
	[tilespmem:v2+s29+$0x0] =	vst.idx.msk $0xffff, v3  }
0x75: {  	s23 =	sadd.s32 $0x2, s23;
	v3 =	vld.idx.msk [tilespmem:v2+s31+$0x0], $0xffff  }
0x76: {  	p0 =	slt.u32 s23, $0x206  }
.Ltmp4:
0x77: {  	_ = 	snop;
	(pc) =	sbr.rel @p0 .LBB2_10-.Ltmp4, $3  }
0x78: {  	_ =	sdelay $0x1  }
0x79: {  	s3 =	simm.s32 $0x15E90;
	s5 =	simm.s32 $0x14510;
	v3 =	vmax.f32 v3, v63  }
0x7a: {  	s25 =	sadd.s32 $0x20, s25;
	s26 =	sadd.s32 $0x20, s26;
	s2 =	sadd.s32 $0x20, s2;
	[tilespmem:v2+s31+$0x0] =	vst.idx.msk $0xffff, v3  }
0x7b: {  	v3 =	vld [tilespmem:s3+$0xFFFFFFF0]  }
0x7c: {  	v5 =	vld [tilespmem:s5+$0xFFFFFFF0];
	[tilespmem:s5+$0xFFFFFFF0] =	vst v0  }
0x7d: {  	[tilespmem:s3+$0xFFFFFFF0] =	vst v0;
	v6 =	vld [tilespmem:s3+$0x0]  }
0x7e: {  	v7 =	vld [tilespmem:s5+$0x0];
	_ =	sdelay $0x2  }
0x7f: {  	s25 =	simm.s32 $0x15EB0;
	[tilespmem:s5+$0x0] =	vst v0  }
0x80: {  	s26 =	simm.s32 $0x14530;
	v2 =	vld [tilespmem:s25+$0xFFFFFFF0];
	[tilespmem:s3+$0x0] =	vst v0;
	v5 =	vsub.f32 v5, v3  }
0x81: {  	v4 =	vld [tilespmem:s26+$0xFFFFFFF0];
	[tilespmem:s26+$0xFFFFFFF0] =	vst v0;
	v6 =	vsub.f32 v7, v6  }
0x82: {  	[tilespmem:s25+$0xFFFFFFF0] =	vst v0;
	v3 =	vld [tilespmem:s25+$0x0];
	v7 =	vand.u32 $0x7FFFFFFF, v5  }
0x83: {  	s23 =	simm.s32 $0x2;
	s2 =	simm.s32 $0x15EB0;
	v5 =	vld [tilespmem:s26+$0x0];
	[tilespmem:s26+$0x0] =	vst v0;
	v1 =	vadd.f32 v7, v1;
	v6 =	vand.u32 $0x7FFFFFFF, v6  }
.LBB2_12:
0x84: {  	s23 =	sadd.s32 $0x2, s23  }
0x85: {  	s25 =	sadd.s32 $0x20, s25;
	v1 =	vadd.f32 v6, v1;
	p0 =	slt.u32 s23, $0x17E  }
.Ltmp5:
0x86: {  	s26 =	sadd.s32 $0x20, s26;
	v6 =	vsub.f32 v4, v2;
	v2 =	vld [tilespmem:s25+$0xFFFFFFF0];
	[tilespmem:s2+$0x0] =	vst v0;
	(pc) =	sbr.rel @p0 .LBB2_12-.Ltmp5, $4  }
0x87: {  	s2 =	smov.u32 s25;
	v4 =	vld [tilespmem:s26+$0xFFFFFFF0];
	[tilespmem:s26+$0xFFFFFFF0] =	vst v0  }
0x88: {  	[tilespmem:s25+$0xFFFFFFF0] =	vst v0;
	v6 =	vand.u32 $0x7FFFFFFF, v6;
	v7 =	vsub.f32 v5, v3;
	v3 =	vld [tilespmem:s25+$0x0]  }
0x89: {  	v5 =	vld [tilespmem:s26+$0x0];
	v1 =	vadd.f32 v6, v1  }
0x8a: {  	[tilespmem:s26+$0x0] =	vst v0;
	v6 =	vand.u32 $0x7FFFFFFF, v7  }
0x8b: {  	[tilespmem:s2+$0x0] =	vst v0  }
0x8c: {  	_ =	swait.ge [sflag:s19], $0x2080;
	v2 =	vsub.f32 v4, v2  }
0x8d: {  	v1 =	vadd.f32 v6, v1;
	[sflag:s19] =	ssyncset.done $0x0  }
0x8e: {  	[sflag:s19] =	ssyncadd.s32 $0xFFFFDF80;
	v2 =	vand.u32 $0x7FFFFFFF, v2;
	v3 =	vsub.f32 v5, v3  }
0x8f: {  	_ =	swait.ge [sflag:s20], $0x2080;
	v1 =	vadd.f32 v2, v1  }
0x90: {  	s23 =	simm.s32 $0xFFFFFFFE;
	s25 =	simm.s32 $0xE390;
	[sflag:s20] =	ssyncset.done $0x0;
	v2 =	vand.u32 $0x7FFFFFFF, v3  }
0x91: {  	s26 =	simm.s32 $0xC310;
	s2 =	simm.s32 $0x2090;
	[sflag:s20] =	ssyncadd.s32 $0xFFFFDF80;
	v1 =	vadd.f32 v2, v1  }
.LBB2_14:
0x92: {  	v2 =	vld [tilespmem:s2+$0xFFFFFFF0];
	_ =	sdelay $0x6  }
0x93: {  	v3 =	vld [tilespmem:s26+$0xFFFFFFF0]  }
0x94: {  	v4 =	vld.idx.msk [tilespmem:v2+s29+$0x0], $0xffff;
	_ =	sdelay $0x4  }
0x95: {  	v3 =	vmax.f32 v4, v3  }
0x96: {  	v5 =	vld [tilespmem:s25+$0xFFFFFFF0];
	[tilespmem:v2+s29+$0x0] =	vst.idx.msk $0xffff, v3  }
0x97: {  	v3 =	vld.idx.msk [tilespmem:v2+s31+$0x0], $0xffff;
	_ =	sdelay $0x4  }
0x98: {  	v3 =	vmax.f32 v3, v5  }
0x99: {  	[tilespmem:v2+s31+$0x0] =	vst.idx.msk $0xffff, v3  }
0x9a: {  	v2 =	vld [tilespmem:s2+$0x0];
	_ =	sdelay $0x6  }
0x9b: {  	v3 =	vld [tilespmem:s26+$0x0]  }
0x9c: {  	v62 =	vld.idx.msk [tilespmem:v2+s29+$0x0], $0xffff;
	_ =	sdelay $0x4  }
0x9d: {  	v3 =	vmax.f32 v62, v3  }
0x9e: {  	v63 =	vld [tilespmem:s25+$0x0];
	[tilespmem:v2+s29+$0x0] =	vst.idx.msk $0xffff, v3  }
0x9f: {  	s23 =	sadd.s32 $0x2, s23;
	v3 =	vld.idx.msk [tilespmem:v2+s31+$0x0], $0xffff  }
0xa0: {  	p0 =	slt.u32 s23, $0x206  }
.Ltmp6:
0xa1: {  	_ = 	snop;
	(pc) =	sbr.rel @p0 .LBB2_14-.Ltmp6, $3  }
0xa2: {  	_ =	sdelay $0x1  }
0xa3: {  	s3 =	simm.s32 $0x15E90;
	s5 =	simm.s32 $0x14510;
	v3 =	vmax.f32 v3, v63  }
0xa4: {  	s25 =	sadd.s32 $0x20, s25;
	s26 =	sadd.s32 $0x20, s26;
	s2 =	sadd.s32 $0x20, s2;
	[tilespmem:v2+s31+$0x0] =	vst.idx.msk $0xffff, v3  }
0xa5: {  	v3 =	vld [tilespmem:s3+$0xFFFFFFF0]  }
0xa6: {  	v5 =	vld [tilespmem:s5+$0xFFFFFFF0];
	[tilespmem:s5+$0xFFFFFFF0] =	vst v0  }
0xa7: {  	[tilespmem:s3+$0xFFFFFFF0] =	vst v0;
	v6 =	vld [tilespmem:s3+$0x0]  }
0xa8: {  	v7 =	vld [tilespmem:s5+$0x0];
	_ =	sdelay $0x2  }
0xa9: {  	s25 =	simm.s32 $0x15EB0;
	[tilespmem:s5+$0x0] =	vst v0  }
0xaa: {  	s26 =	simm.s32 $0x14530;
	v2 =	vld [tilespmem:s25+$0xFFFFFFF0];
	[tilespmem:s3+$0x0] =	vst v0;
	v5 =	vsub.f32 v5, v3  }
0xab: {  	v4 =	vld [tilespmem:s26+$0xFFFFFFF0];
	[tilespmem:s26+$0xFFFFFFF0] =	vst v0;
	v6 =	vsub.f32 v7, v6  }
0xac: {  	[tilespmem:s25+$0xFFFFFFF0] =	vst v0;
	v3 =	vld [tilespmem:s25+$0x0];
	v7 =	vand.u32 $0x7FFFFFFF, v5  }
0xad: {  	s23 =	simm.s32 $0x2;
	s2 =	simm.s32 $0x15EB0;
	v5 =	vld [tilespmem:s26+$0x0];
	[tilespmem:s26+$0x0] =	vst v0;
	v1 =	vadd.f32 v7, v1;
	v6 =	vand.u32 $0x7FFFFFFF, v6  }
.LBB2_16:
0xae: {  	s23 =	sadd.s32 $0x2, s23  }
0xaf: {  	s25 =	sadd.s32 $0x20, s25;
	v1 =	vadd.f32 v6, v1;
	p0 =	slt.u32 s23, $0x17E  }
.Ltmp7:
0xb0: {  	s26 =	sadd.s32 $0x20, s26;
	v6 =	vsub.f32 v4, v2;
	v2 =	vld [tilespmem:s25+$0xFFFFFFF0];
	[tilespmem:s2+$0x0] =	vst v0;
	(pc) =	sbr.rel @p0 .LBB2_16-.Ltmp7, $4  }
0xb1: {  	s2 =	smov.u32 s25;
	v4 =	vld [tilespmem:s26+$0xFFFFFFF0];
	[tilespmem:s26+$0xFFFFFFF0] =	vst v0  }
0xb2: {  	[tilespmem:s25+$0xFFFFFFF0] =	vst v0;
	v6 =	vand.u32 $0x7FFFFFFF, v6;
	v7 =	vsub.f32 v5, v3;
	v3 =	vld [tilespmem:s25+$0x0]  }
0xb3: {  	v5 =	vld [tilespmem:s26+$0x0];
	v1 =	vadd.f32 v6, v1  }
0xb4: {  	[tilespmem:s26+$0x0] =	vst v0;
	v6 =	vand.u32 $0x7FFFFFFF, v7  }
0xb5: {  	[tilespmem:s2+$0x0] =	vst v0  }
0xb6: {  	_ =	swait.ge [sflag:s21], $0x2080;
	v2 =	vsub.f32 v4, v2  }
0xb7: {  	v1 =	vadd.f32 v6, v1;
	[sflag:s21] =	ssyncset.done $0x0  }
0xb8: {  	[sflag:s21] =	ssyncadd.s32 $0xFFFFDF80;
	v2 =	vand.u32 $0x7FFFFFFF, v2;
	v3 =	vsub.f32 v5, v3  }
0xb9: {  	s25 =	simm.s32 $0xFFFFFFFE;
	_ =	swait.ge [sflag:s22], $0x2080;
	v1 =	vadd.f32 v2, v1  }
0xba: {  	s23 =	simm.s32 $0x12490;
	s26 =	simm.s32 $0x10410;
	[sflag:s22] =	ssyncset.done $0x0;
	v2 =	vand.u32 $0x7FFFFFFF, v3  }
0xbb: {  	s2 =	simm.s32 $0x2090;
	s3 =	simm.s32 $0xFFFFFFFE;
	[sflag:s22] =	ssyncadd.s32 $0xFFFFDF80;
	v1 =	vadd.f32 v2, v1  }
.LBB2_18:
0xbc: {  	v2 =	vld [tilespmem:s2+$0xFFFFFFF0];
	_ =	sdelay $0x6  }
0xbd: {  	v3 =	vld [tilespmem:s26+$0xFFFFFFF0]  }
0xbe: {  	v4 =	vld.idx.msk [tilespmem:v2+s29+$0x0], $0xffff;
	_ =	sdelay $0x4  }
0xbf: {  	v3 =	vmax.f32 v4, v3  }
0xc0: {  	v5 =	vld [tilespmem:s23+$0xFFFFFFF0];
	[tilespmem:v2+s29+$0x0] =	vst.idx.msk $0xffff, v3  }
0xc1: {  	v3 =	vld.idx.msk [tilespmem:v2+s31+$0x0], $0xffff;
	_ =	sdelay $0x4  }
0xc2: {  	v3 =	vmax.f32 v3, v5  }
0xc3: {  	[tilespmem:v2+s31+$0x0] =	vst.idx.msk $0xffff, v3  }
0xc4: {  	v2 =	vld [tilespmem:s2+$0x0];
	_ =	sdelay $0x6  }
0xc5: {  	v3 =	vld [tilespmem:s26+$0x0]  }
0xc6: {  	v62 =	vld.idx.msk [tilespmem:v2+s29+$0x0], $0xffff;
	_ =	sdelay $0x4  }
0xc7: {  	v3 =	vmax.f32 v62, v3  }
0xc8: {  	v63 =	vld [tilespmem:s23+$0x0];
	[tilespmem:v2+s29+$0x0] =	vst.idx.msk $0xffff, v3  }
0xc9: {  	s3 =	sadd.s32 $0x2, s3;
	v3 =	vld.idx.msk [tilespmem:v2+s31+$0x0], $0xffff  }
0xca: {  	p0 =	slt.u32 s3, $0x206  }
.Ltmp8:
0xcb: {  	_ = 	snop;
	(pc) =	sbr.rel @p0 .LBB2_18-.Ltmp8, $3  }
0xcc: {  	_ =	sdelay $0x1  }
0xcd: {  	s5 =	simm.s32 $0x15E90;
	v3 =	vmax.f32 v3, v63  }
0xce: {  	s23 =	sadd.s32 $0x20, s23;
	s26 =	sadd.s32 $0x20, s26;
	s2 =	sadd.s32 $0x20, s2;
	[tilespmem:v2+s31+$0x0] =	vst.idx.msk $0xffff, v3  }
0xcf: {  	v3 =	vld [tilespmem:s6+$0xFFFFFFF0]  }
0xd0: {  	v4 =	vld [tilespmem:s5+$0xFFFFFFF0]  }
0xd1: {  	v5 =	vld [tilespmem:s5+$0x0]  }
0xd2: {  	v6 =	vld [tilespmem:s6+$0x0];
	_ =	sdelay $0x2  }
0xd3: {  	s26 =	sadd.s32 $0x20, s6  }
0xd4: {  	s23 =	sadd.s32 $0x20, s5;
	v2 =	vld [tilespmem:s26+$0xFFFFFFF0];
	v7 =	vsub.f32 v3, v4  }
0xd5: {  	v4 =	vld [tilespmem:s23+$0xFFFFFFF0];
	v6 =	vsub.f32 v6, v5  }
0xd6: {  	s2 =	sadd.s32 $0x2, s25;
	v3 =	vld [tilespmem:s23+$0x0];
	v7 =	vand.u32 $0x7FFFFFFF, v7  }
0xd7: {  	s2 =	sadd.s32 $0x2, s2;
	v5 =	vld [tilespmem:s26+$0x0];
	v6 =	vand.u32 $0x7FFFFFFF, v6;
	v1 =	vadd.f32 v7, v1  }
.LBB2_20:
0xd8: {  	s2 =	sadd.s32 $0x2, s2  }
0xd9: {  	s26 =	sadd.s32 $0x20, s26;
	v1 =	vadd.f32 v6, v1;
	p0 =	slt.u32 s2, $0x17E  }
.Ltmp9:
0xda: {  	s23 =	sadd.s32 $0x20, s23;
	v6 =	vsub.f32 v2, v4;
	v2 =	vld [tilespmem:s26+$0xFFFFFFF0];
	(pc) =	sbr.rel @p0 .LBB2_20-.Ltmp9, $4  }
0xdb: {  	v4 =	vld [tilespmem:s23+$0xFFFFFFF0]  }
0xdc: {  	v6 =	vand.u32 $0x7FFFFFFF, v6;
	v7 =	vsub.f32 v5, v3;
	v3 =	vld [tilespmem:s23+$0x0]  }
0xdd: {  	v5 =	vld [tilespmem:s26+$0x0];
	v1 =	vadd.f32 v6, v1  }
0xde: {  	v6 =	vand.u32 $0x7FFFFFFF, v7  }
0xdf: {  	_ = 	snop  }
0xe0: {  	v2 =	vsub.f32 v2, v4  }
0xe1: {  	v1 =	vadd.f32 v6, v1  }
0xe2: {  	v2 =	vand.u32 $0x7FFFFFFF, v2;
	v3 =	vsub.f32 v5, v3  }
0xe3: {  	v1 =	vadd.f32 v2, v1  }
0xe4: {  	v2 =	vand.u32 $0x7FFFFFFF, v3  }
0xe5: {  	s24 =	sadd.s32 $0x1, s24;
	v1 =	vadd.f32 v2, v1  }
0xe6: {  	p0 =	sne.s32 s24, s14  }
.Ltmp10:
0xe7: {  	s2 =	simm.s32 $0x17800;
	[tilespmem:$0x17800] =	vst v1;
	(pc) =	sbr.rel @p0 .LBB2_1-.Ltmp10, $4  }
0xe8: {  	[hbm4b:s13+s1] =	stream.linear.scatter [tilespmem:s2], [sflag:$0x9], $0x80, $0x38;
	[tilespmem:$0x17880] =	vst v63  }
0xe9: {  	_ =	swait.ge [sflag:s17], $0x80  }
0xea: {  	[sflag:s17] =	ssyncset.done $0x0  }
0xeb: {  	[sflag:s17] =	ssyncadd.s32 $0xFFFFFF80  }
0xec: {  	_ =	sfence.sel $0x180000  }
0xed: {  	[bflag:$0x0] =	sbarrier.arrive $0xFFFF  }
0xee: {  	_ =	strace $0x90000047  }
0xef: {  	s0 =	stileid.u32;
	[bflag:$0x2] =	sbarrier.arrive $0xFFFF  }
0xf0: {  	p0 =	sne.s32 s0, $0x0;
	s0 =	rddreg [dreg:$0x1]  }
0xf1: {  	s0 =	sadd.s32 @!p0 $0x100000, s0  }
0xf2: {  	[sflag:s0] =	ssyncadd.tile.s32 @!p0 $0x1;
	_ =	shalt  }
.Lfunc_end2:
_tile_overlayer_lowered:
.L_overlay_start_2:
0xf3: {  	(tag) =	ssettag $0x2  }
0xf4: {  	s0 =	rddreg [dreg:$0x0];
	s2 =	stileid.u32  }
0xf5: {  	s1 =	rddreg [dreg:$0x1];
	p0 =	sne.s32 s2, $0x0  }
0xf6: {  	s3 =	rddreg [dreg:$0x2];
	[bflag:$0x3] =	sbarrier.arrive $0xFFFF;
	s2 =	simm.s32 @!p0 $0x1C09  }
0xf7: {  	[timem:s3], [sflag:s2] =	dma.local @!p0 [hbm:s0], s1  }
0xf8: {  	s0 =	simm.s32 @!p0 $0x9  }
0xf9: {  	_ =	swait.ge @!p0 [sflag:s0], s1  }
0xfa: {  	s1 =	ssub.s32 @!p0 $0x0, s1;
	[sflag:s0] =	ssyncset.done @!p0 $0x0  }
0xfb: {  	[sflag:s0] =	ssyncadd.s32 @!p0 s1  }
0xfc: {  	[bflag:$0x3] =	sbarrier.arrive $0xFFFF  }
0xfd: {  	_ =	shalt  }

</sc_bundles>
